<compile_context>
chip_gen: v7x
topology: tpu7x:2x2x1
jax: 0.10.2.dev20260603
libtpu: 0.0.44.dev20260713+nightly
codegen_flags: <defaults>
</compile_context>

<pallas_src>
import dataclasses
import functools

import jax
import jax.numpy as jnp
from jax import lax
from jax.experimental import pallas as pl
from jax.experimental.pallas import tpu as pltpu
from jax.experimental.pallas import tpu_sc as plsc

D = 256
DP = D // 2
RW = DP + 1
L = 16
NC, NS = 2, 16
NWORK = NC * NS
W = 128
PC = 8


def _pack_bf16(x):
    n, d = x.shape
    h = d // 2
    lo = lax.bitcast_convert_type(
        x[:, :h].astype(jnp.bfloat16), jnp.uint16).astype(jnp.uint32)
    hi = lax.bitcast_convert_type(
        x[:, h:].astype(jnp.bfloat16), jnp.uint16).astype(jnp.uint32)
    w = lax.bitcast_convert_type(lo | (hi << 16), jnp.int32)
    return jnp.pad(w, ((0, 0), (0, RW - h)))


def kernel(x_user, x_job, edge_label_index):
    E = edge_label_index.shape[1]
    n_win_total = E // W
    n_per_worker = -(-n_win_total // NWORK)
    n_pairs = -(-n_per_worker // 2)
    mesh = plsc.VectorSubcoreMesh(core_axis_name="c", subcore_axis_name="s")
    cp = pltpu.CompilerParams()
    if "needs_layout_passes" in pltpu.CompilerParams.__dataclass_fields__:
        cp = dataclasses.replace(cp, needs_layout_passes=False)
    if "use_tc_tiling_on_sc" in pltpu.CompilerParams.__dataclass_fields__:
        cp = dataclasses.replace(cp, use_tc_tiling_on_sc=False)

    @functools.partial(
        pl.kernel,
        out_type=jax.ShapeDtypeStruct((E,), jnp.float32),
        mesh=mesh,
        compiler_params=cp,
        scratch_types=[
            pltpu.VMEM((W,), jnp.int32),
            pltpu.VMEM((W,), jnp.int32),
            pltpu.VMEM((W,), jnp.int32),
            pltpu.VMEM((W,), jnp.int32),
            pltpu.VMEM((W, RW), jnp.int32),
            pltpu.VMEM((W, RW), jnp.int32),
            pltpu.VMEM((W, RW), jnp.int32),
            pltpu.VMEM((W, RW), jnp.int32),
            pltpu.VMEM((W,), jnp.float32),
            pltpu.SemaphoreType.DMA,
            pltpu.SemaphoreType.DMA,
            pltpu.SemaphoreType.DMA,
            pltpu.SemaphoreType.DMA,
            pltpu.SemaphoreType.DMA,
            pltpu.SemaphoreType.DMA,
            pltpu.SemaphoreType.DMA,
            pltpu.SemaphoreType.DMA,
        ],
    )
    def sc_kernel(xu_hbm, xj_hbm, eu_hbm, ej_hbm, out_hbm,
                  iu0, iu1, ij0, ij1, ru0, ru1, rj0, rj1, out_v,
                  su0, su1, sj0, sj1, tu0, tu1, tj0, tj1):
        wid = lax.axis_index("s") * NC + lax.axis_index("c")
        ius, ijs, rus, rjs = (iu0, iu1), (ij0, ij1), (ru0, ru1), (rj0, rj1)
        sus, sjs = (su0, su1), (sj0, sj1)
        tus, tjs = (tu0, tu1), (tj0, tj1)

        def win_base(k):
            win = wid + k * NWORK
            valid = win < n_win_total
            return jnp.where(valid, win * W, 0), valid

        def start_idx(k, s):
            base, _ = win_base(k)
            pltpu.async_copy(eu_hbm.at[pl.ds(base, W)], ius[s], tus[s])
            pltpu.async_copy(ej_hbm.at[pl.ds(base, W)], ijs[s], tjs[s])

        def start_gathers(k, s):
            base, _ = win_base(k)
            pltpu.make_async_copy(eu_hbm.at[pl.ds(base, W)], ius[s], tus[s]).wait()
            pltpu.make_async_copy(ej_hbm.at[pl.ds(base, W)], ijs[s], tjs[s]).wait()
            pltpu.async_copy(xu_hbm.at[ius[s]], rus[s], sus[s])
            pltpu.async_copy(xj_hbm.at[ijs[s]], rjs[s], sjs[s])

        def wait_rows(s):
            pltpu.make_async_copy(xu_hbm.at[ius[s]], rus[s], sus[s]).wait()
            pltpu.make_async_copy(xj_hbm.at[ijs[s]], rjs[s], sjs[s]).wait()

        def compute_store(k, s):
            ru_v, rj_v = rus[s], rjs[s]

            @pl.loop(0, W // L)
            def _(gi):
                e0 = gi * L
                e_ids = e0 + lax.iota(jnp.int32, L)
                zero = jnp.zeros((L,), jnp.float32)

                def dim_body(t, accs):
                    accs = list(accs)
                    p0 = t * PC
                    for pp in range(PC):
                        pvec = jnp.zeros((L,), jnp.int32) + (p0 + pp)
                        uw = plsc.load_gather(ru_v, [e_ids, pvec])
                        vw = plsc.load_gather(rj_v, [e_ids, pvec])
                        prod = (plsc.bitcast(uw, jnp.bfloat16)
                                * plsc.bitcast(vw, jnp.bfloat16))
                        pa, pb = plsc.unpack(
                            prod, format=plsc.PackFormat.INTERLEAVED)
                        accs[(2 * pp) % 4] = accs[(2 * pp) % 4] + pa
                        accs[(2 * pp + 1) % 4] = accs[(2 * pp + 1) % 4] + pb
                    return tuple(accs)

                a0, a1, a2, a3 = lax.fori_loop(
                    0, DP // PC, dim_body, (zero, zero, zero, zero))
                out_v[pl.ds(e0, L)] = (a0 + a1) + (a2 + a3)

            base, valid = win_base(k)

            @pl.when(valid)
            def _():
                pltpu.sync_copy(out_v, out_hbm.at[pl.ds(base, W)])

        start_idx(0, 0)
        start_gathers(0, 0)
        start_idx(1, 1)

        @pl.loop(0, n_pairs)
        def _(i):
            k0 = 2 * i
            start_gathers(k0 + 1, 1)
            wait_rows(0)
            start_idx(k0 + 2, 0)
            compute_store(k0, 0)
            start_gathers(k0 + 2, 0)
            wait_rows(1)
            start_idx(k0 + 3, 1)
            compute_store(k0 + 1, 1)

        wait_rows(0)
        base, _ = win_base(2 * n_pairs + 1)
        pltpu.make_async_copy(eu_hbm.at[pl.ds(base, W)], ius[1], tus[1]).wait()
        pltpu.make_async_copy(ej_hbm.at[pl.ds(base, W)], ijs[1], tjs[1]).wait()

    return sc_kernel(_pack_bf16(x_user), _pack_bf16(x_job),
                     edge_label_index[0], edge_label_index[1])

# --- scband reference (transcript-rebuilt; emitter-appended) ---
"""Pipeline reference for scband-classifier-3882650436637 (READ-ONLY COPY).

The authoritative reference and input builder live on the scoring server;
editing this copy changes nothing except your own understanding.
"""

import jax, jax.numpy as jnp
import numpy as np

N_USER = 10000
N_JOB = 10000
D = 256
E = 160000


def setup_inputs(seed: int = 0) -> dict:
    key = jax.random.key(seed)
    k1, k2, k3 = jax.random.split(key, 3)
    x_user = jax.random.normal(k1, (N_USER, D), dtype=jnp.float32)
    x_job = jax.random.normal(k2, (N_JOB, D), dtype=jnp.float32)
    edge_label_index = jax.random.randint(k3, (2, E), 0, min(N_USER, N_JOB), dtype=jnp.int32)
    return {"x_user": x_user, "x_job": x_job, "edge_label_index": edge_label_index}


def reference(x_user, x_job, edge_label_index):
    # gather user and job feature rows for each candidate edge
    user_feats = jnp.take(x_user, edge_label_index[0], axis=0)
    job_feats = jnp.take(x_job, edge_label_index[1], axis=0)
    # dot-product score per edge
    return jnp.sum(user_feats * job_feats, axis=1)

if __name__ == "__main__":
    import jax
    _d = setup_inputs()
    print(jax.jit(kernel)(*tuple(_d.values())))

</pallas_src>

<mosaic_0001>
#map = affine_map<(d0, d1) -> (0, 0)>
#map1 = affine_map<(d0, d1) -> (0)>
module attributes {stable_mosaic.version = 14 : i64} {
  func.func @sc_kernel(%arg0: i32, %arg1: i32, %arg2: memref<10000x129xi32, #tpu.memory_space<hbm>>, %arg3: memref<10000x129xi32, #tpu.memory_space<hbm>>, %arg4: memref<160000xi32, #tpu.memory_space<hbm>>, %arg5: memref<160000xi32, #tpu.memory_space<hbm>>, %arg6: memref<160000xf32, #tpu.memory_space<hbm>>, %arg7: memref<128xi32, #tpu.memory_space<vmem>>, %arg8: memref<128xi32, #tpu.memory_space<vmem>>, %arg9: memref<128xi32, #tpu.memory_space<vmem>>, %arg10: memref<128xi32, #tpu.memory_space<vmem>>, %arg11: memref<128x129xi32, #tpu.memory_space<vmem>>, %arg12: memref<128x129xi32, #tpu.memory_space<vmem>>, %arg13: memref<128x129xi32, #tpu.memory_space<vmem>>, %arg14: memref<128x129xi32, #tpu.memory_space<vmem>>, %arg15: memref<128xf32, #tpu.memory_space<vmem>>, %arg16: memref<!tpu.dma_semaphore, #tpu.memory_space<semaphore_mem>>, %arg17: memref<!tpu.dma_semaphore, #tpu.memory_space<semaphore_mem>>, %arg18: memref<!tpu.dma_semaphore, #tpu.memory_space<semaphore_mem>>, %arg19: memref<!tpu.dma_semaphore, #tpu.memory_space<semaphore_mem>>, %arg20: memref<!tpu.dma_semaphore, #tpu.memory_space<semaphore_mem>>, %arg21: memref<!tpu.dma_semaphore, #tpu.memory_space<semaphore_mem>>, %arg22: memref<!tpu.dma_semaphore, #tpu.memory_space<semaphore_mem>>, %arg23: memref<!tpu.dma_semaphore, #tpu.memory_space<semaphore_mem>>) attributes {dimension_semantics = [#tpu.dimension_semantics<core_parallel>, #tpu.dimension_semantics<subcore_parallel>], iteration_bounds = array<i64: 2, 16>, scalar_prefetch = 0 : i64, scratch_operands = 17 : i64, tpu.core_type = #tpu.core_type<sc_vector_subcore>, window_params = [{transform_indices = #map}, {transform_indices = #map}, {transform_indices = #map1}, {transform_indices = #map1}, {transform_indices = #map1}]} {
    %mul3A = arith.constant 2 : i32
    %mul3A_0 = arith.muli %arg1, %mul3A : i32
    %add3A = arith.addi %mul3A_0, %arg0 : i32
    %add3A_1 = arith.constant 0 : i32
    %add3A_2 = arith.addi %add3A, %add3A_1 : i32
    %lt3A = arith.constant 1250 : i32
    %lt3A_3 = arith.cmpi slt, %add3A_2, %lt3A : i32
    %mul3A_4 = arith.constant 128 : i32
    %mul3A_5 = arith.muli %add3A_2, %mul3A_4 : i32
    %jit3A = arith.constant 0 : i32
    %select_n3A = arith.select %lt3A_3, %mul3A_5, %jit3A : i32
    %dma_start3A = tpu.memref_slice %arg4[%select_n3A] : memref<160000xi32, #tpu.memory_space<hbm>> -> memref<128xi32, #tpu.memory_space<hbm>>
    %dma_start3A_6 = tpu.memref_slice %arg4[%select_n3A] : memref<160000xi32, #tpu.memory_space<hbm>> -> memref<128xi32, #tpu.memory_space<hbm>>
    tpu.enqueue_dma source(%dma_start3A_6 : memref<128xi32, #tpu.memory_space<hbm>>) target(%arg7 : memref<128xi32, #tpu.memory_space<vmem>>) target_semaphore(%arg20 : memref<!tpu.dma_semaphore, #tpu.memory_space<semaphore_mem>>)
    %dma_start3A_7 = tpu.memref_slice %arg5[%select_n3A] : memref<160000xi32, #tpu.memory_space<hbm>> -> memref<128xi32, #tpu.memory_space<hbm>>
    %dma_start3A_8 = tpu.memref_slice %arg5[%select_n3A] : memref<160000xi32, #tpu.memory_space<hbm>> -> memref<128xi32, #tpu.memory_space<hbm>>
    tpu.enqueue_dma source(%dma_start3A_8 : memref<128xi32, #tpu.memory_space<hbm>>) target(%arg9 : memref<128xi32, #tpu.memory_space<vmem>>) target_semaphore(%arg22 : memref<!tpu.dma_semaphore, #tpu.memory_space<semaphore_mem>>)
    %add3A_9 = arith.constant 0 : i32
    %add3A_10 = arith.addi %add3A, %add3A_9 : i32
    %lt3A_11 = arith.constant 1250 : i32
    %lt3A_12 = arith.cmpi slt, %add3A_10, %lt3A_11 : i32
    %mul3A_13 = arith.constant 128 : i32
    %mul3A_14 = arith.muli %add3A_10, %mul3A_13 : i32
    %jit3A_15 = arith.constant 0 : i32
    %select_n3A_16 = arith.select %lt3A_12, %mul3A_14, %jit3A_15 : i32
    %dma_wait3A = tpu.memref_slice %arg4[%select_n3A_16] : memref<160000xi32, #tpu.memory_space<hbm>> -> memref<128xi32, #tpu.memory_space<hbm>>
    %dma_wait3A_17 = tpu.memref_slice %arg4[%select_n3A_16] : memref<160000xi32, #tpu.memory_space<hbm>> -> memref<128xi32, #tpu.memory_space<hbm>>
    tpu.wait_dma2 semaphore(%arg20 : memref<!tpu.dma_semaphore, #tpu.memory_space<semaphore_mem>>) src(%dma_wait3A_17 : memref<128xi32, #tpu.memory_space<hbm>>) dst(%arg7 : memref<128xi32, #tpu.memory_space<vmem>>)
    %dma_wait3A_18 = tpu.memref_slice %arg5[%select_n3A_16] : memref<160000xi32, #tpu.memory_space<hbm>> -> memref<128xi32, #tpu.memory_space<hbm>>
    %dma_wait3A_19 = tpu.memref_slice %arg5[%select_n3A_16] : memref<160000xi32, #tpu.memory_space<hbm>> -> memref<128xi32, #tpu.memory_space<hbm>>
    tpu.wait_dma2 semaphore(%arg22 : memref<!tpu.dma_semaphore, #tpu.memory_space<semaphore_mem>>) src(%dma_wait3A_19 : memref<128xi32, #tpu.memory_space<hbm>>) dst(%arg9 : memref<128xi32, #tpu.memory_space<vmem>>)
    %dma_start3A_20 = arith.constant 0 : i32
    %dma_start3A_21 = arith.constant 0 : i32
    %dma_start3A_22 = tpu.memref_slice %arg2[%dma_start3A_20, %dma_start3A_21] : memref<10000x129xi32, #tpu.memory_space<hbm>> -> memref<10000x129xi32, #tpu.memory_space<hbm>>
    tpu.enqueue_indirect_dma source(%dma_start3A_22 : memref<10000x129xi32, #tpu.memory_space<hbm>>) target(%arg11 : memref<128x129xi32, #tpu.memory_space<vmem>>) offsets(%arg7 : memref<128xi32, #tpu.memory_space<vmem>>) semaphore(%arg16 : memref<!tpu.dma_semaphore, #tpu.memory_space<semaphore_mem>>)
    %dma_start3A_23 = arith.constant 0 : i32
    %dma_start3A_24 = arith.constant 0 : i32
    %dma_start3A_25 = tpu.memref_slice %arg3[%dma_start3A_23, %dma_start3A_24] : memref<10000x129xi32, #tpu.memory_space<hbm>> -> memref<10000x129xi32, #tpu.memory_space<hbm>>
    tpu.enqueue_indirect_dma source(%dma_start3A_25 : memref<10000x129xi32, #tpu.memory_space<hbm>>) target(%arg13 : memref<128x129xi32, #tpu.memory_space<vmem>>) offsets(%arg9 : memref<128xi32, #tpu.memory_space<vmem>>) semaphore(%arg18 : memref<!tpu.dma_semaphore, #tpu.memory_space<semaphore_mem>>)
    %add3A_26 = arith.constant 32 : i32
    %add3A_27 = arith.addi %add3A, %add3A_26 : i32
    %lt3A_28 = arith.constant 1250 : i32
    %lt3A_29 = arith.cmpi slt, %add3A_27, %lt3A_28 : i32
    %mul3A_30 = arith.constant 128 : i32
    %mul3A_31 = arith.muli %add3A_27, %mul3A_30 : i32
    %jit3A_32 = arith.constant 0 : i32
    %select_n3A_33 = arith.select %lt3A_29, %mul3A_31, %jit3A_32 : i32
    %dma_start3A_34 = tpu.memref_slice %arg4[%select_n3A_33] : memref<160000xi32, #tpu.memory_space<hbm>> -> memref<128xi32, #tpu.memory_space<hbm>>
    %dma_start3A_35 = tpu.memref_slice %arg4[%select_n3A_33] : memref<160000xi32, #tpu.memory_space<hbm>> -> memref<128xi32, #tpu.memory_space<hbm>>
    tpu.enqueue_dma source(%dma_start3A_35 : memref<128xi32, #tpu.memory_space<hbm>>) target(%arg8 : memref<128xi32, #tpu.memory_space<vmem>>) target_semaphore(%arg21 : memref<!tpu.dma_semaphore, #tpu.memory_space<semaphore_mem>>)
    %dma_start3A_36 = tpu.memref_slice %arg5[%select_n3A_33] : memref<160000xi32, #tpu.memory_space<hbm>> -> memref<128xi32, #tpu.memory_space<hbm>>
    %dma_start3A_37 = tpu.memref_slice %arg5[%select_n3A_33] : memref<160000xi32, #tpu.memory_space<hbm>> -> memref<128xi32, #tpu.memory_space<hbm>>
    tpu.enqueue_dma source(%dma_start3A_37 : memref<128xi32, #tpu.memory_space<hbm>>) target(%arg10 : memref<128xi32, #tpu.memory_space<vmem>>) target_semaphore(%arg23 : memref<!tpu.dma_semaphore, #tpu.memory_space<semaphore_mem>>)
    %scan3A = arith.constant 0 : i32
    %scan3A_38 = arith.constant 20 : i32
    %scan3A_39 = arith.addi %scan3A, %scan3A_38 : i32
    %scan3A_40 = arith.constant 1 : i32
    scf.for %scan3A_60 = %scan3A to %scan3A_39 step %scan3A_40  : i32 {
      %mul3A_61 = arith.constant 1 : i32
      %mul3A_62 = arith.muli %scan3A_60, %mul3A_61 : i32
      %add3A_63 = arith.constant 0 : i32
      %add3A_64 = arith.addi %add3A_63, %mul3A_62 : i32
      %mul3A_65 = arith.constant 2 : i32
      %mul3A_66 = arith.muli %mul3A_65, %add3A_64 : i32
      %add3A_67 = arith.constant 1 : i32
      %add3A_68 = arith.addi %mul3A_66, %add3A_67 : i32
      %mul3A_69 = arith.constant 32 : i32
      %mul3A_70 = arith.muli %add3A_68, %mul3A_69 : i32
      %add3A_71 = arith.addi %add3A, %mul3A_70 : i32
      %lt3A_72 = arith.constant 1250 : i32
      %lt3A_73 = arith.cmpi slt, %add3A_71, %lt3A_72 : i32
      %mul3A_74 = arith.constant 128 : i32
      %mul3A_75 = arith.muli %add3A_71, %mul3A_74 : i32
      %jit3A_76 = arith.constant 0 : i32
      %select_n3A_77 = arith.select %lt3A_73, %mul3A_75, %jit3A_76 : i32
      %dma_wait3A_78 = tpu.memref_slice %arg4[%select_n3A_77] : memref<160000xi32, #tpu.memory_space<hbm>> -> memref<128xi32, #tpu.memory_space<hbm>>
      %dma_wait3A_79 = tpu.memref_slice %arg4[%select_n3A_77] : memref<160000xi32, #tpu.memory_space<hbm>> -> memref<128xi32, #tpu.memory_space<hbm>>
      tpu.wait_dma2 semaphore(%arg21 : memref<!tpu.dma_semaphore, #tpu.memory_space<semaphore_mem>>) src(%dma_wait3A_79 : memref<128xi32, #tpu.memory_space<hbm>>) dst(%arg8 : memref<128xi32, #tpu.memory_space<vmem>>)
      %dma_wait3A_80 = tpu.memref_slice %arg5[%select_n3A_77] : memref<160000xi32, #tpu.memory_space<hbm>> -> memref<128xi32, #tpu.memory_space<hbm>>
      %dma_wait3A_81 = tpu.memref_slice %arg5[%select_n3A_77] : memref<160000xi32, #tpu.memory_space<hbm>> -> memref<128xi32, #tpu.memory_space<hbm>>
      tpu.wait_dma2 semaphore(%arg23 : memref<!tpu.dma_semaphore, #tpu.memory_space<semaphore_mem>>) src(%dma_wait3A_81 : memref<128xi32, #tpu.memory_space<hbm>>) dst(%arg10 : memref<128xi32, #tpu.memory_space<vmem>>)
      %dma_start3A_82 = arith.constant 0 : i32
      %dma_start3A_83 = arith.constant 0 : i32
      %dma_start3A_84 = tpu.memref_slice %arg2[%dma_start3A_82, %dma_start3A_83] : memref<10000x129xi32, #tpu.memory_space<hbm>> -> memref<10000x129xi32, #tpu.memory_space<hbm>>
      tpu.enqueue_indirect_dma source(%dma_start3A_84 : memref<10000x129xi32, #tpu.memory_space<hbm>>) target(%arg12 : memref<128x129xi32, #tpu.memory_space<vmem>>) offsets(%arg8 : memref<128xi32, #tpu.memory_space<vmem>>) semaphore(%arg17 : memref<!tpu.dma_semaphore, #tpu.memory_space<semaphore_mem>>)
      %dma_start3A_85 = arith.constant 0 : i32
      %dma_start3A_86 = arith.constant 0 : i32
      %dma_start3A_87 = tpu.memref_slice %arg3[%dma_start3A_85, %dma_start3A_86] : memref<10000x129xi32, #tpu.memory_space<hbm>> -> memref<10000x129xi32, #tpu.memory_space<hbm>>
      tpu.enqueue_indirect_dma source(%dma_start3A_87 : memref<10000x129xi32, #tpu.memory_space<hbm>>) target(%arg14 : memref<128x129xi32, #tpu.memory_space<vmem>>) offsets(%arg10 : memref<128xi32, #tpu.memory_space<vmem>>) semaphore(%arg19 : memref<!tpu.dma_semaphore, #tpu.memory_space<semaphore_mem>>)
      %dma_wait3A_88 = arith.constant 0 : i32
      %dma_wait3A_89 = arith.constant 0 : i32
      %dma_wait3A_90 = tpu.memref_slice %arg2[%dma_wait3A_88, %dma_wait3A_89] : memref<10000x129xi32, #tpu.memory_space<hbm>> -> memref<10000x129xi32, #tpu.memory_space<hbm>>
      tpu.wait_indirect_dma semaphore(%arg16 : memref<!tpu.dma_semaphore, #tpu.memory_space<semaphore_mem>>) src(%dma_wait3A_90 : memref<10000x129xi32, #tpu.memory_space<hbm>>) dst(%arg11 : memref<128x129xi32, #tpu.memory_space<vmem>>)
      %dma_wait3A_91 = arith.constant 0 : i32
      %dma_wait3A_92 = arith.constant 0 : i32
      %dma_wait3A_93 = tpu.memref_slice %arg3[%dma_wait3A_91, %dma_wait3A_92] : memref<10000x129xi32, #tpu.memory_space<hbm>> -> memref<10000x129xi32, #tpu.memory_space<hbm>>
      tpu.wait_indirect_dma semaphore(%arg18 : memref<!tpu.dma_semaphore, #tpu.memory_space<semaphore_mem>>) src(%dma_wait3A_93 : memref<10000x129xi32, #tpu.memory_space<hbm>>) dst(%arg13 : memref<128x129xi32, #tpu.memory_space<vmem>>)
      %add3A_94 = arith.constant 2 : i32
      %add3A_95 = arith.addi %mul3A_66, %add3A_94 : i32
      %mul3A_96 = arith.constant 32 : i32
      %mul3A_97 = arith.muli %add3A_95, %mul3A_96 : i32
      %add3A_98 = arith.addi %add3A, %mul3A_97 : i32
      %lt3A_99 = arith.constant 1250 : i32
      %lt3A_100 = arith.cmpi slt, %add3A_98, %lt3A_99 : i32
      %mul3A_101 = arith.constant 128 : i32
      %mul3A_102 = arith.muli %add3A_98, %mul3A_101 : i32
      %jit3A_103 = arith.constant 0 : i32
      %select_n3A_104 = arith.select %lt3A_100, %mul3A_102, %jit3A_103 : i32
      %dma_start3A_105 = tpu.memref_slice %arg4[%select_n3A_104] : memref<160000xi32, #tpu.memory_space<hbm>> -> memref<128xi32, #tpu.memory_space<hbm>>
      %dma_start3A_106 = tpu.memref_slice %arg4[%select_n3A_104] : memref<160000xi32, #tpu.memory_space<hbm>> -> memref<128xi32, #tpu.memory_space<hbm>>
      tpu.enqueue_dma source(%dma_start3A_106 : memref<128xi32, #tpu.memory_space<hbm>>) target(%arg7 : memref<128xi32, #tpu.memory_space<vmem>>) target_semaphore(%arg20 : memref<!tpu.dma_semaphore, #tpu.memory_space<semaphore_mem>>)
      %dma_start3A_107 = tpu.memref_slice %arg5[%select_n3A_104] : memref<160000xi32, #tpu.memory_space<hbm>> -> memref<128xi32, #tpu.memory_space<hbm>>
      %dma_start3A_108 = tpu.memref_slice %arg5[%select_n3A_104] : memref<160000xi32, #tpu.memory_space<hbm>> -> memref<128xi32, #tpu.memory_space<hbm>>
      tpu.enqueue_dma source(%dma_start3A_108 : memref<128xi32, #tpu.memory_space<hbm>>) target(%arg9 : memref<128xi32, #tpu.memory_space<vmem>>) target_semaphore(%arg22 : memref<!tpu.dma_semaphore, #tpu.memory_space<semaphore_mem>>)
      %scan3A_109 = arith.constant 0 : i32
      %scan3A_110 = arith.constant 8 : i32
      %scan3A_111 = arith.addi %scan3A_109, %scan3A_110 : i32
      %scan3A_112 = arith.constant 1 : i32
      scf.for %scan3A_185 = %scan3A_109 to %scan3A_111 step %scan3A_112  : i32 {
        %mul3A_186 = arith.constant 1 : i32
        %mul3A_187 = arith.muli %scan3A_185, %mul3A_186 : i32
        %add3A_188 = arith.constant 0 : i32
        %add3A_189 = arith.addi %add3A_188, %mul3A_187 : i32
        %mul3A_190 = arith.constant 16 : i32
        %mul3A_191 = arith.muli %add3A_189, %mul3A_190 : i32
        %iota3A = tpu.iota {dimensions = array<i32: 0>} : vector<16xi32>
        %add3A_192 = vector.broadcast %mul3A_191 : i32 to vector<16xi32>
        %add3A_193 = arith.addi %add3A_192, %iota3A : vector<16xi32>
        %broadcast_in_dim3A = arith.constant 0.000000e+00 : f32
        %broadcast_in_dim3A_194 = vector.broadcast %broadcast_in_dim3A : f32 to vector<16xf32>
        %scan3A_195 = arith.constant 0 : i32
        %scan3A_196 = arith.constant 16 : i32
        %scan3A_197 = arith.addi %scan3A_195, %scan3A_196 : i32
        %scan3A_198 = arith.constant 1 : i32
        %scan3A_199:4 = scf.for %scan3A_205 = %scan3A_195 to %scan3A_197 step %scan3A_198 iter_args(%scan3A_206 = %broadcast_in_dim3A_194, %scan3A_207 = %broadcast_in_dim3A_194, %scan3A_208 = %broadcast_in_dim3A_194, %scan3A_209 = %broadcast_in_dim3A_194) -> (vector<16xf32>, vector<16xf32>, vector<16xf32>, vector<16xf32>)  : i32 {
          %mul3A_210 = arith.constant 8 : i32
          %mul3A_211 = arith.muli %scan3A_205, %mul3A_210 : i32
          %broadcast_in_dim3A_212 = arith.constant 0 : i32
          %broadcast_in_dim3A_213 = vector.broadcast %broadcast_in_dim3A_212 : i32 to vector<16xi32>
          %add3A_214 = arith.constant 0 : i32
          %add3A_215 = arith.addi %mul3A_211, %add3A_214 : i32
          %add3A_216 = vector.broadcast %add3A_215 : i32 to vector<16xi32>
          %add3A_217 = arith.addi %broadcast_in_dim3A_213, %add3A_216 : vector<16xi32>
          %gather3A = tpu.vector_load_idx %arg11[%add3A_193, %add3A_217] : memref<128x129xi32, #tpu.memory_space<vmem>>[vector<16xi32>, vector<16xi32>], vector<16xi32>,
          %gather3A_218 = tpu.vector_load_idx %arg13[%add3A_193, %add3A_217] : memref<128x129xi32, #tpu.memory_space<vmem>>[vector<16xi32>, vector<16xi32>], vector<16xi32>,
          %bitcast3A = vector.bitcast %gather3A : vector<16xi32> to vector<32xbf16>
          %bitcast3A_219 = vector.bitcast %gather3A_218 : vector<16xi32> to vector<32xbf16>
          %mul3A_220 = arith.mulf %bitcast3A, %bitcast3A_219 : vector<32xbf16>
          %unpack3A = tpu.unpack_subelements %mul3A_220, 0 {pack_format = #tpu.pack_format<interleaved>} : vector<32xbf16> -> vector<16xf32>
          %unpack3A_221 = tpu.unpack_subelements %mul3A_220, 1 {pack_format = #tpu.pack_format<interleaved>} : vector<32xbf16> -> vector<16xf32>
          %add3A_222 = arith.addf %scan3A_206, %unpack3A : vector<16xf32>
          %add3A_223 = arith.addf %scan3A_207, %unpack3A_221 : vector<16xf32>
          %broadcast_in_dim3A_224 = arith.constant 0 : i32
          %broadcast_in_dim3A_225 = vector.broadcast %broadcast_in_dim3A_224 : i32 to vector<16xi32>
          %add3A_226 = arith.constant 1 : i32
          %add3A_227 = arith.addi %mul3A_211, %add3A_226 : i32
          %add3A_228 = vector.broadcast %add3A_227 : i32 to vector<16xi32>
          %add3A_229 = arith.addi %broadcast_in_dim3A_225, %add3A_228 : vector<16xi32>
          %gather3A_230 = tpu.vector_load_idx %arg11[%add3A_193, %add3A_229] : memref<128x129xi32, #tpu.memory_space<vmem>>[vector<16xi32>, vector<16xi32>], vector<16xi32>,
          %gather3A_231 = tpu.vector_load_idx %arg13[%add3A_193, %add3A_229] : memref<128x129xi32, #tpu.memory_space<vmem>>[vector<16xi32>, vector<16xi32>], vector<16xi32>,
          %bitcast3A_232 = vector.bitcast %gather3A_230 : vector<16xi32> to vector<32xbf16>
          %bitcast3A_233 = vector.bitcast %gather3A_231 : vector<16xi32> to vector<32xbf16>
          %mul3A_234 = arith.mulf %bitcast3A_232, %bitcast3A_233 : vector<32xbf16>
          %unpack3A_235 = tpu.unpack_subelements %mul3A_234, 0 {pack_format = #tpu.pack_format<interleaved>} : vector<32xbf16> -> vector<16xf32>
          %unpack3A_236 = tpu.unpack_subelements %mul3A_234, 1 {pack_format = #tpu.pack_format<interleaved>} : vector<32xbf16> -> vector<16xf32>
          %add3A_237 = arith.addf %scan3A_208, %unpack3A_235 : vector<16xf32>
          %add3A_238 = arith.addf %scan3A_209, %unpack3A_236 : vector<16xf32>
          %broadcast_in_dim3A_239 = arith.constant 0 : i32
          %broadcast_in_dim3A_240 = vector.broadcast %broadcast_in_dim3A_239 : i32 to vector<16xi32>
          %add3A_241 = arith.constant 2 : i32
          %add3A_242 = arith.addi %mul3A_211, %add3A_241 : i32
          %add3A_243 = vector.broadcast %add3A_242 : i32 to vector<16xi32>
          %add3A_244 = arith.addi %broadcast_in_dim3A_240, %add3A_243 : vector<16xi32>
          %gather3A_245 = tpu.vector_load_idx %arg11[%add3A_193, %add3A_244] : memref<128x129xi32, #tpu.memory_space<vmem>>[vector<16xi32>, vector<16xi32>], vector<16xi32>,
          %gather3A_246 = tpu.vector_load_idx %arg13[%add3A_193, %add3A_244] : memref<128x129xi32, #tpu.memory_space<vmem>>[vector<16xi32>, vector<16xi32>], vector<16xi32>,
          %bitcast3A_247 = vector.bitcast %gather3A_245 : vector<16xi32> to vector<32xbf16>
          %bitcast3A_248 = vector.bitcast %gather3A_246 : vector<16xi32> to vector<32xbf16>
          %mul3A_249 = arith.mulf %bitcast3A_247, %bitcast3A_248 : vector<32xbf16>
          %unpack3A_250 = tpu.unpack_subelements %mul3A_249, 0 {pack_format = #tpu.pack_format<interleaved>} : vector<32xbf16> -> vector<16xf32>
          %unpack3A_251 = tpu.unpack_subelements %mul3A_249, 1 {pack_format = #tpu.pack_format<interleaved>} : vector<32xbf16> -> vector<16xf32>
          %add3A_252 = arith.addf %add3A_222, %unpack3A_250 : vector<16xf32>
          %add3A_253 = arith.addf %add3A_223, %unpack3A_251 : vector<16xf32>
          %broadcast_in_dim3A_254 = arith.constant 0 : i32
          %broadcast_in_dim3A_255 = vector.broadcast %broadcast_in_dim3A_254 : i32 to vector<16xi32>
          %add3A_256 = arith.constant 3 : i32
          %add3A_257 = arith.addi %mul3A_211, %add3A_256 : i32
          %add3A_258 = vector.broadcast %add3A_257 : i32 to vector<16xi32>
          %add3A_259 = arith.addi %broadcast_in_dim3A_255, %add3A_258 : vector<16xi32>
          %gather3A_260 = tpu.vector_load_idx %arg11[%add3A_193, %add3A_259] : memref<128x129xi32, #tpu.memory_space<vmem>>[vector<16xi32>, vector<16xi32>], vector<16xi32>,
          %gather3A_261 = tpu.vector_load_idx %arg13[%add3A_193, %add3A_259] : memref<128x129xi32, #tpu.memory_space<vmem>>[vector<16xi32>, vector<16xi32>], vector<16xi32>,
          %bitcast3A_262 = vector.bitcast %gather3A_260 : vector<16xi32> to vector<32xbf16>
          %bitcast3A_263 = vector.bitcast %gather3A_261 : vector<16xi32> to vector<32xbf16>
          %mul3A_264 = arith.mulf %bitcast3A_262, %bitcast3A_263 : vector<32xbf16>
          %unpack3A_265 = tpu.unpack_subelements %mul3A_264, 0 {pack_format = #tpu.pack_format<interleaved>} : vector<32xbf16> -> vector<16xf32>
          %unpack3A_266 = tpu.unpack_subelements %mul3A_264, 1 {pack_format = #tpu.pack_format<interleaved>} : vector<32xbf16> -> vector<16xf32>
          %add3A_267 = arith.addf %add3A_237, %unpack3A_265 : vector<16xf32>
          %add3A_268 = arith.addf %add3A_238, %unpack3A_266 : vector<16xf32>
          %broadcast_in_dim3A_269 = arith.constant 0 : i32
          %broadcast_in_dim3A_270 = vector.broadcast %broadcast_in_dim3A_269 : i32 to vector<16xi32>
          %add3A_271 = arith.constant 4 : i32
          %add3A_272 = arith.addi %mul3A_211, %add3A_271 : i32
          %add3A_273 = vector.broadcast %add3A_272 : i32 to vector<16xi32>
          %add3A_274 = arith.addi %broadcast_in_dim3A_270, %add3A_273 : vector<16xi32>
          %gather3A_275 = tpu.vector_load_idx %arg11[%add3A_193, %add3A_274] : memref<128x129xi32, #tpu.memory_space<vmem>>[vector<16xi32>, vector<16xi32>], vector<16xi32>,
          %gather3A_276 = tpu.vector_load_idx %arg13[%add3A_193, %add3A_274] : memref<128x129xi32, #tpu.memory_space<vmem>>[vector<16xi32>, vector<16xi32>], vector<16xi32>,
          %bitcast3A_277 = vector.bitcast %gather3A_275 : vector<16xi32> to vector<32xbf16>
          %bitcast3A_278 = vector.bitcast %gather3A_276 : vector<16xi32> to vector<32xbf16>
          %mul3A_279 = arith.mulf %bitcast3A_277, %bitcast3A_278 : vector<32xbf16>
          %unpack3A_280 = tpu.unpack_subelements %mul3A_279, 0 {pack_format = #tpu.pack_format<interleaved>} : vector<32xbf16> -> vector<16xf32>
          %unpack3A_281 = tpu.unpack_subelements %mul3A_279, 1 {pack_format = #tpu.pack_format<interleaved>} : vector<32xbf16> -> vector<16xf32>
          %add3A_282 = arith.addf %add3A_252, %unpack3A_280 : vector<16xf32>
          %add3A_283 = arith.addf %add3A_253, %unpack3A_281 : vector<16xf32>
          %broadcast_in_dim3A_284 = arith.constant 0 : i32
          %broadcast_in_dim3A_285 = vector.broadcast %broadcast_in_dim3A_284 : i32 to vector<16xi32>
          %add3A_286 = arith.constant 5 : i32
          %add3A_287 = arith.addi %mul3A_211, %add3A_286 : i32
          %add3A_288 = vector.broadcast %add3A_287 : i32 to vector<16xi32>
          %add3A_289 = arith.addi %broadcast_in_dim3A_285, %add3A_288 : vector<16xi32>
          %gather3A_290 = tpu.vector_load_idx %arg11[%add3A_193, %add3A_289] : memref<128x129xi32, #tpu.memory_space<vmem>>[vector<16xi32>, vector<16xi32>], vector<16xi32>,
          %gather3A_291 = tpu.vector_load_idx %arg13[%add3A_193, %add3A_289] : memref<128x129xi32, #tpu.memory_space<vmem>>[vector<16xi32>, vector<16xi32>], vector<16xi32>,
          %bitcast3A_292 = vector.bitcast %gather3A_290 : vector<16xi32> to vector<32xbf16>
          %bitcast3A_293 = vector.bitcast %gather3A_291 : vector<16xi32> to vector<32xbf16>
          %mul3A_294 = arith.mulf %bitcast3A_292, %bitcast3A_293 : vector<32xbf16>
          %unpack3A_295 = tpu.unpack_subelements %mul3A_294, 0 {pack_format = #tpu.pack_format<interleaved>} : vector<32xbf16> -> vector<16xf32>
          %unpack3A_296 = tpu.unpack_subelements %mul3A_294, 1 {pack_format = #tpu.pack_format<interleaved>} : vector<32xbf16> -> vector<16xf32>
          %add3A_297 = arith.addf %add3A_267, %unpack3A_295 : vector<16xf32>
          %add3A_298 = arith.addf %add3A_268, %unpack3A_296 : vector<16xf32>
          %broadcast_in_dim3A_299 = arith.constant 0 : i32
          %broadcast_in_dim3A_300 = vector.broadcast %broadcast_in_dim3A_299 : i32 to vector<16xi32>
          %add3A_301 = arith.constant 6 : i32
          %add3A_302 = arith.addi %mul3A_211, %add3A_301 : i32
          %add3A_303 = vector.broadcast %add3A_302 : i32 to vector<16xi32>
          %add3A_304 = arith.addi %broadcast_in_dim3A_300, %add3A_303 : vector<16xi32>
          %gather3A_305 = tpu.vector_load_idx %arg11[%add3A_193, %add3A_304] : memref<128x129xi32, #tpu.memory_space<vmem>>[vector<16xi32>, vector<16xi32>], vector<16xi32>,
          %gather3A_306 = tpu.vector_load_idx %arg13[%add3A_193, %add3A_304] : memref<128x129xi32, #tpu.memory_space<vmem>>[vector<16xi32>, vector<16xi32>], vector<16xi32>,
          %bitcast3A_307 = vector.bitcast %gather3A_305 : vector<16xi32> to vector<32xbf16>
          %bitcast3A_308 = vector.bitcast %gather3A_306 : vector<16xi32> to vector<32xbf16>
          %mul3A_309 = arith.mulf %bitcast3A_307, %bitcast3A_308 : vector<32xbf16>
          %unpack3A_310 = tpu.unpack_subelements %mul3A_309, 0 {pack_format = #tpu.pack_format<interleaved>} : vector<32xbf16> -> vector<16xf32>
          %unpack3A_311 = tpu.unpack_subelements %mul3A_309, 1 {pack_format = #tpu.pack_format<interleaved>} : vector<32xbf16> -> vector<16xf32>
          %add3A_312 = arith.addf %add3A_282, %unpack3A_310 : vector<16xf32>
          %add3A_313 = arith.addf %add3A_283, %unpack3A_311 : vector<16xf32>
          %broadcast_in_dim3A_314 = arith.constant 0 : i32
          %broadcast_in_dim3A_315 = vector.broadcast %broadcast_in_dim3A_314 : i32 to vector<16xi32>
          %add3A_316 = arith.constant 7 : i32
          %add3A_317 = arith.addi %mul3A_211, %add3A_316 : i32
          %add3A_318 = vector.broadcast %add3A_317 : i32 to vector<16xi32>
          %add3A_319 = arith.addi %broadcast_in_dim3A_315, %add3A_318 : vector<16xi32>
          %gather3A_320 = tpu.vector_load_idx %arg11[%add3A_193, %add3A_319] : memref<128x129xi32, #tpu.memory_space<vmem>>[vector<16xi32>, vector<16xi32>], vector<16xi32>,
          %gather3A_321 = tpu.vector_load_idx %arg13[%add3A_193, %add3A_319] : memref<128x129xi32, #tpu.memory_space<vmem>>[vector<16xi32>, vector<16xi32>], vector<16xi32>,
          %bitcast3A_322 = vector.bitcast %gather3A_320 : vector<16xi32> to vector<32xbf16>
          %bitcast3A_323 = vector.bitcast %gather3A_321 : vector<16xi32> to vector<32xbf16>
          %mul3A_324 = arith.mulf %bitcast3A_322, %bitcast3A_323 : vector<32xbf16>
          %unpack3A_325 = tpu.unpack_subelements %mul3A_324, 0 {pack_format = #tpu.pack_format<interleaved>} : vector<32xbf16> -> vector<16xf32>
          %unpack3A_326 = tpu.unpack_subelements %mul3A_324, 1 {pack_format = #tpu.pack_format<interleaved>} : vector<32xbf16> -> vector<16xf32>
          %add3A_327 = arith.addf %add3A_297, %unpack3A_325 : vector<16xf32>
          %add3A_328 = arith.addf %add3A_298, %unpack3A_326 : vector<16xf32>
          scf.yield %add3A_312, %add3A_313, %add3A_327, %add3A_328 : vector<16xf32>, vector<16xf32>, vector<16xf32>, vector<16xf32>
        }
        %scan3A_200 = arith.constant 16 : i32
        %add3A_201 = arith.addf %scan3A_199#0, %scan3A_199#1 : vector<16xf32>
        %add3A_202 = arith.addf %scan3A_199#2, %scan3A_199#3 : vector<16xf32>
        %add3A_203 = arith.addf %add3A_201, %add3A_202 : vector<16xf32>
        %swap3A = arith.index_cast %mul3A_191 : i32 to index
        %swap3A_204 = tpu.vector_load %arg15[%swap3A] {strides = array<i32>} : memref<128xf32, #tpu.memory_space<vmem>>, vector<16xf32>,
        tpu.vector_store %arg15[%swap3A], %add3A_203 {strides = array<i32>} : memref<128xf32, #tpu.memory_space<vmem>>, vector<16xf32>,
      }
      %scan3A_113 = arith.constant 8 : i32
      %mul3A_114 = arith.constant 32 : i32
      %mul3A_115 = arith.muli %mul3A_66, %mul3A_114 : i32
      %add3A_116 = arith.addi %add3A, %mul3A_115 : i32
      %lt3A_117 = arith.constant 1250 : i32
      %lt3A_118 = arith.cmpi slt, %add3A_116, %lt3A_117 : i32
      %mul3A_119 = arith.constant 128 : i32
      %mul3A_120 = arith.muli %add3A_116, %mul3A_119 : i32
      %jit3A_121 = arith.constant 0 : i32
      %select_n3A_122 = arith.select %lt3A_118, %mul3A_120, %jit3A_121 : i32
      %convert_element_type3A = arith.extui %lt3A_118 : i1 to i32
      %cond3A = arith.constant 0 : i32
      %cond3A_123 = arith.cmpi ne, %convert_element_type3A, %cond3A : i32
      scf.if %cond3A_123 {
        "tpu.region"() ({
          %run_scoped3A = tpu.sem_alloc : memref<!tpu.dma_semaphore, #tpu.memory_space<semaphore_mem>>
          %dma_start3A_185 = tpu.memref_slice %arg6[%select_n3A_122] : memref<160000xf32, #tpu.memory_space<hbm>> -> memref<128xf32, #tpu.memory_space<hbm>>
          %dma_start3A_186 = tpu.memref_slice %arg6[%select_n3A_122] : memref<160000xf32, #tpu.memory_space<hbm>> -> memref<128xf32, #tpu.memory_space<hbm>>
          tpu.enqueue_dma source(%arg15 : memref<128xf32, #tpu.memory_space<vmem>>) target(%dma_start3A_186 : memref<128xf32, #tpu.memory_space<hbm>>) target_semaphore(%run_scoped3A : memref<!tpu.dma_semaphore, #tpu.memory_space<semaphore_mem>>)
          %dma_wait3A_187 = tpu.memref_slice %arg6[%select_n3A_122] : memref<160000xf32, #tpu.memory_space<hbm>> -> memref<128xf32, #tpu.memory_space<hbm>>
          %dma_wait3A_188 = tpu.memref_slice %arg6[%select_n3A_122] : memref<160000xf32, #tpu.memory_space<hbm>> -> memref<128xf32, #tpu.memory_space<hbm>>
          tpu.wait_dma2 semaphore(%run_scoped3A : memref<!tpu.dma_semaphore, #tpu.memory_space<semaphore_mem>>) src(%arg15 : memref<128xf32, #tpu.memory_space<vmem>>) dst(%dma_wait3A_188 : memref<128xf32, #tpu.memory_space<hbm>>)
          tpu.yield
        }) : () -> ()
      } else {
      }
      %add3A_124 = arith.constant 2 : i32
      %add3A_125 = arith.addi %mul3A_66, %add3A_124 : i32
      %mul3A_126 = arith.constant 32 : i32
      %mul3A_127 = arith.muli %add3A_125, %mul3A_126 : i32
      %add3A_128 = arith.addi %add3A, %mul3A_127 : i32
      %lt3A_129 = arith.constant 1250 : i32
      %lt3A_130 = arith.cmpi slt, %add3A_128, %lt3A_129 : i32
      %mul3A_131 = arith.constant 128 : i32
      %mul3A_132 = arith.muli %add3A_128, %mul3A_131 : i32
      %jit3A_133 = arith.constant 0 : i32
      %select_n3A_134 = arith.select %lt3A_130, %mul3A_132, %jit3A_133 : i32
      %dma_wait3A_135 = tpu.memref_slice %arg4[%select_n3A_134] : memref<160000xi32, #tpu.memory_space<hbm>> -> memref<128xi32, #tpu.memory_space<hbm>>
      %dma_wait3A_136 = tpu.memref_slice %arg4[%select_n3A_134] : memref<160000xi32, #tpu.memory_space<hbm>> -> memref<128xi32, #tpu.memory_space<hbm>>
      tpu.wait_dma2 semaphore(%arg20 : memref<!tpu.dma_semaphore, #tpu.memory_space<semaphore_mem>>) src(%dma_wait3A_136 : memref<128xi32, #tpu.memory_space<hbm>>) dst(%arg7 : memref<128xi32, #tpu.memory_space<vmem>>)
      %dma_wait3A_137 = tpu.memref_slice %arg5[%select_n3A_134] : memref<160000xi32, #tpu.memory_space<hbm>> -> memref<128xi32, #tpu.memory_space<hbm>>
      %dma_wait3A_138 = tpu.memref_slice %arg5[%select_n3A_134] : memref<160000xi32, #tpu.memory_space<hbm>> -> memref<128xi32, #tpu.memory_space<hbm>>
      tpu.wait_dma2 semaphore(%arg22 : memref<!tpu.dma_semaphore, #tpu.memory_space<semaphore_mem>>) src(%dma_wait3A_138 : memref<128xi32, #tpu.memory_space<hbm>>) dst(%arg9 : memref<128xi32, #tpu.memory_space<vmem>>)
      %dma_start3A_139 = arith.constant 0 : i32
      %dma_start3A_140 = arith.constant 0 : i32
      %dma_start3A_141 = tpu.memref_slice %arg2[%dma_start3A_139, %dma_start3A_140] : memref<10000x129xi32, #tpu.memory_space<hbm>> -> memref<10000x129xi32, #tpu.memory_space<hbm>>
      tpu.enqueue_indirect_dma source(%dma_start3A_141 : memref<10000x129xi32, #tpu.memory_space<hbm>>) target(%arg11 : memref<128x129xi32, #tpu.memory_space<vmem>>) offsets(%arg7 : memref<128xi32, #tpu.memory_space<vmem>>) semaphore(%arg16 : memref<!tpu.dma_semaphore, #tpu.memory_space<semaphore_mem>>)
      %dma_start3A_142 = arith.constant 0 : i32
      %dma_start3A_143 = arith.constant 0 : i32
      %dma_start3A_144 = tpu.memref_slice %arg3[%dma_start3A_142, %dma_start3A_143] : memref<10000x129xi32, #tpu.memory_space<hbm>> -> memref<10000x129xi32, #tpu.memory_space<hbm>>
      tpu.enqueue_indirect_dma source(%dma_start3A_144 : memref<10000x129xi32, #tpu.memory_space<hbm>>) target(%arg13 : memref<128x129xi32, #tpu.memory_space<vmem>>) offsets(%arg9 : memref<128xi32, #tpu.memory_space<vmem>>) semaphore(%arg18 : memref<!tpu.dma_semaphore, #tpu.memory_space<semaphore_mem>>)
      %dma_wait3A_145 = arith.constant 0 : i32
      %dma_wait3A_146 = arith.constant 0 : i32
      %dma_wait3A_147 = tpu.memref_slice %arg2[%dma_wait3A_145, %dma_wait3A_146] : memref<10000x129xi32, #tpu.memory_space<hbm>> -> memref<10000x129xi32, #tpu.memory_space<hbm>>
      tpu.wait_indirect_dma semaphore(%arg17 : memref<!tpu.dma_semaphore, #tpu.memory_space<semaphore_mem>>) src(%dma_wait3A_147 : memref<10000x129xi32, #tpu.memory_space<hbm>>) dst(%arg12 : memref<128x129xi32, #tpu.memory_space<vmem>>)
      %dma_wait3A_148 = arith.constant 0 : i32
      %dma_wait3A_149 = arith.constant 0 : i32
      %dma_wait3A_150 = tpu.memref_slice %arg3[%dma_wait3A_148, %dma_wait3A_149] : memref<10000x129xi32, #tpu.memory_space<hbm>> -> memref<10000x129xi32, #tpu.memory_space<hbm>>
      tpu.wait_indirect_dma semaphore(%arg19 : memref<!tpu.dma_semaphore, #tpu.memory_space<semaphore_mem>>) src(%dma_wait3A_150 : memref<10000x129xi32, #tpu.memory_space<hbm>>) dst(%arg14 : memref<128x129xi32, #tpu.memory_space<vmem>>)
      %add3A_151 = arith.constant 3 : i32
      %add3A_152 = arith.addi %mul3A_66, %add3A_151 : i32
      %mul3A_153 = arith.constant 32 : i32
      %mul3A_154 = arith.muli %add3A_152, %mul3A_153 : i32
      %add3A_155 = arith.addi %add3A, %mul3A_154 : i32
      %lt3A_156 = arith.constant 1250 : i32
      %lt3A_157 = arith.cmpi slt, %add3A_155, %lt3A_156 : i32
      %mul3A_158 = arith.constant 128 : i32
      %mul3A_159 = arith.muli %add3A_155, %mul3A_158 : i32
      %jit3A_160 = arith.constant 0 : i32
      %select_n3A_161 = arith.select %lt3A_157, %mul3A_159, %jit3A_160 : i32
      %dma_start3A_162 = tpu.memref_slice %arg4[%select_n3A_161] : memref<160000xi32, #tpu.memory_space<hbm>> -> memref<128xi32, #tpu.memory_space<hbm>>
      %dma_start3A_163 = tpu.memref_slice %arg4[%select_n3A_161] : memref<160000xi32, #tpu.memory_space<hbm>> -> memref<128xi32, #tpu.memory_space<hbm>>
      tpu.enqueue_dma source(%dma_start3A_163 : memref<128xi32, #tpu.memory_space<hbm>>) target(%arg8 : memref<128xi32, #tpu.memory_space<vmem>>) target_semaphore(%arg21 : memref<!tpu.dma_semaphore, #tpu.memory_space<semaphore_mem>>)
      %dma_start3A_164 = tpu.memref_slice %arg5[%select_n3A_161] : memref<160000xi32, #tpu.memory_space<hbm>> -> memref<128xi32, #tpu.memory_space<hbm>>
      %dma_start3A_165 = tpu.memref_slice %arg5[%select_n3A_161] : memref<160000xi32, #tpu.memory_space<hbm>> -> memref<128xi32, #tpu.memory_space<hbm>>
      tpu.enqueue_dma source(%dma_start3A_165 : memref<128xi32, #tpu.memory_space<hbm>>) target(%arg10 : memref<128xi32, #tpu.memory_space<vmem>>) target_semaphore(%arg23 : memref<!tpu.dma_semaphore, #tpu.memory_space<semaphore_mem>>)
      %add3A_166 = arith.constant 1 : i32
      %add3A_167 = arith.addi %mul3A_66, %add3A_166 : i32
      %scan3A_168 = arith.constant 0 : i32
      %scan3A_169 = arith.constant 8 : i32
      %scan3A_170 = arith.addi %scan3A_168, %scan3A_169 : i32
      %scan3A_171 = arith.constant 1 : i32
      scf.for %scan3A_185 = %scan3A_168 to %scan3A_170 step %scan3A_171  : i32 {
        %mul3A_186 = arith.constant 1 : i32
        %mul3A_187 = arith.muli %scan3A_185, %mul3A_186 : i32
        %add3A_188 = arith.constant 0 : i32
        %add3A_189 = arith.addi %add3A_188, %mul3A_187 : i32
        %mul3A_190 = arith.constant 16 : i32
        %mul3A_191 = arith.muli %add3A_189, %mul3A_190 : i32
        %iota3A = tpu.iota {dimensions = array<i32: 0>} : vector<16xi32>
        %add3A_192 = vector.broadcast %mul3A_191 : i32 to vector<16xi32>
        %add3A_193 = arith.addi %add3A_192, %iota3A : vector<16xi32>
        %broadcast_in_dim3A = arith.constant 0.000000e+00 : f32
        %broadcast_in_dim3A_194 = vector.broadcast %broadcast_in_dim3A : f32 to vector<16xf32>
        %scan3A_195 = arith.constant 0 : i32
        %scan3A_196 = arith.constant 16 : i32
        %scan3A_197 = arith.addi %scan3A_195, %scan3A_196 : i32
        %scan3A_198 = arith.constant 1 : i32
        %scan3A_199:4 = scf.for %scan3A_205 = %scan3A_195 to %scan3A_197 step %scan3A_198 iter_args(%scan3A_206 = %broadcast_in_dim3A_194, %scan3A_207 = %broadcast_in_dim3A_194, %scan3A_208 = %broadcast_in_dim3A_194, %scan3A_209 = %broadcast_in_dim3A_194) -> (vector<16xf32>, vector<16xf32>, vector<16xf32>, vector<16xf32>)  : i32 {
          %mul3A_210 = arith.constant 8 : i32
          %mul3A_211 = arith.muli %scan3A_205, %mul3A_210 : i32
          %broadcast_in_dim3A_212 = arith.constant 0 : i32
          %broadcast_in_dim3A_213 = vector.broadcast %broadcast_in_dim3A_212 : i32 to vector<16xi32>
          %add3A_214 = arith.constant 0 : i32
          %add3A_215 = arith.addi %mul3A_211, %add3A_214 : i32
          %add3A_216 = vector.broadcast %add3A_215 : i32 to vector<16xi32>
          %add3A_217 = arith.addi %broadcast_in_dim3A_213, %add3A_216 : vector<16xi32>
          %gather3A = tpu.vector_load_idx %arg12[%add3A_193, %add3A_217] : memref<128x129xi32, #tpu.memory_space<vmem>>[vector<16xi32>, vector<16xi32>], vector<16xi32>,
          %gather3A_218 = tpu.vector_load_idx %arg14[%add3A_193, %add3A_217] : memref<128x129xi32, #tpu.memory_space<vmem>>[vector<16xi32>, vector<16xi32>], vector<16xi32>,
          %bitcast3A = vector.bitcast %gather3A : vector<16xi32> to vector<32xbf16>
          %bitcast3A_219 = vector.bitcast %gather3A_218 : vector<16xi32> to vector<32xbf16>
          %mul3A_220 = arith.mulf %bitcast3A, %bitcast3A_219 : vector<32xbf16>
          %unpack3A = tpu.unpack_subelements %mul3A_220, 0 {pack_format = #tpu.pack_format<interleaved>} : vector<32xbf16> -> vector<16xf32>
          %unpack3A_221 = tpu.unpack_subelements %mul3A_220, 1 {pack_format = #tpu.pack_format<interleaved>} : vector<32xbf16> -> vector<16xf32>
          %add3A_222 = arith.addf %scan3A_206, %unpack3A : vector<16xf32>
          %add3A_223 = arith.addf %scan3A_207, %unpack3A_221 : vector<16xf32>
          %broadcast_in_dim3A_224 = arith.constant 0 : i32
          %broadcast_in_dim3A_225 = vector.broadcast %broadcast_in_dim3A_224 : i32 to vector<16xi32>
          %add3A_226 = arith.constant 1 : i32
          %add3A_227 = arith.addi %mul3A_211, %add3A_226 : i32
          %add3A_228 = vector.broadcast %add3A_227 : i32 to vector<16xi32>
          %add3A_229 = arith.addi %broadcast_in_dim3A_225, %add3A_228 : vector<16xi32>
          %gather3A_230 = tpu.vector_load_idx %arg12[%add3A_193, %add3A_229] : memref<128x129xi32, #tpu.memory_space<vmem>>[vector<16xi32>, vector<16xi32>], vector<16xi32>,
          %gather3A_231 = tpu.vector_load_idx %arg14[%add3A_193, %add3A_229] : memref<128x129xi32, #tpu.memory_space<vmem>>[vector<16xi32>, vector<16xi32>], vector<16xi32>,
          %bitcast3A_232 = vector.bitcast %gather3A_230 : vector<16xi32> to vector<32xbf16>
          %bitcast3A_233 = vector.bitcast %gather3A_231 : vector<16xi32> to vector<32xbf16>
          %mul3A_234 = arith.mulf %bitcast3A_232, %bitcast3A_233 : vector<32xbf16>
          %unpack3A_235 = tpu.unpack_subelements %mul3A_234, 0 {pack_format = #tpu.pack_format<interleaved>} : vector<32xbf16> -> vector<16xf32>
          %unpack3A_236 = tpu.unpack_subelements %mul3A_234, 1 {pack_format = #tpu.pack_format<interleaved>} : vector<32xbf16> -> vector<16xf32>
          %add3A_237 = arith.addf %scan3A_208, %unpack3A_235 : vector<16xf32>
          %add3A_238 = arith.addf %scan3A_209, %unpack3A_236 : vector<16xf32>
          %broadcast_in_dim3A_239 = arith.constant 0 : i32
          %broadcast_in_dim3A_240 = vector.broadcast %broadcast_in_dim3A_239 : i32 to vector<16xi32>
          %add3A_241 = arith.constant 2 : i32
          %add3A_242 = arith.addi %mul3A_211, %add3A_241 : i32
          %add3A_243 = vector.broadcast %add3A_242 : i32 to vector<16xi32>
          %add3A_244 = arith.addi %broadcast_in_dim3A_240, %add3A_243 : vector<16xi32>
          %gather3A_245 = tpu.vector_load_idx %arg12[%add3A_193, %add3A_244] : memref<128x129xi32, #tpu.memory_space<vmem>>[vector<16xi32>, vector<16xi32>], vector<16xi32>,
          %gather3A_246 = tpu.vector_load_idx %arg14[%add3A_193, %add3A_244] : memref<128x129xi32, #tpu.memory_space<vmem>>[vector<16xi32>, vector<16xi32>], vector<16xi32>,
          %bitcast3A_247 = vector.bitcast %gather3A_245 : vector<16xi32> to vector<32xbf16>
          %bitcast3A_248 = vector.bitcast %gather3A_246 : vector<16xi32> to vector<32xbf16>
          %mul3A_249 = arith.mulf %bitcast3A_247, %bitcast3A_248 : vector<32xbf16>
          %unpack3A_250 = tpu.unpack_subelements %mul3A_249, 0 {pack_format = #tpu.pack_format<interleaved>} : vector<32xbf16> -> vector<16xf32>
          %unpack3A_251 = tpu.unpack_subelements %mul3A_249, 1 {pack_format = #tpu.pack_format<interleaved>} : vector<32xbf16> -> vector<16xf32>
          %add3A_252 = arith.addf %add3A_222, %unpack3A_250 : vector<16xf32>
          %add3A_253 = arith.addf %add3A_223, %unpack3A_251 : vector<16xf32>
          %broadcast_in_dim3A_254 = arith.constant 0 : i32
          %broadcast_in_dim3A_255 = vector.broadcast %broadcast_in_dim3A_254 : i32 to vector<16xi32>
          %add3A_256 = arith.constant 3 : i32
          %add3A_257 = arith.addi %mul3A_211, %add3A_256 : i32
          %add3A_258 = vector.broadcast %add3A_257 : i32 to vector<16xi32>
          %add3A_259 = arith.addi %broadcast_in_dim3A_255, %add3A_258 : vector<16xi32>
          %gather3A_260 = tpu.vector_load_idx %arg12[%add3A_193, %add3A_259] : memref<128x129xi32, #tpu.memory_space<vmem>>[vector<16xi32>, vector<16xi32>], vector<16xi32>,
          %gather3A_261 = tpu.vector_load_idx %arg14[%add3A_193, %add3A_259] : memref<128x129xi32, #tpu.memory_space<vmem>>[vector<16xi32>, vector<16xi32>], vector<16xi32>,
          %bitcast3A_262 = vector.bitcast %gather3A_260 : vector<16xi32> to vector<32xbf16>
          %bitcast3A_263 = vector.bitcast %gather3A_261 : vector<16xi32> to vector<32xbf16>
          %mul3A_264 = arith.mulf %bitcast3A_262, %bitcast3A_263 : vector<32xbf16>
          %unpack3A_265 = tpu.unpack_subelements %mul3A_264, 0 {pack_format = #tpu.pack_format<interleaved>} : vector<32xbf16> -> vector<16xf32>
          %unpack3A_266 = tpu.unpack_subelements %mul3A_264, 1 {pack_format = #tpu.pack_format<interleaved>} : vector<32xbf16> -> vector<16xf32>
          %add3A_267 = arith.addf %add3A_237, %unpack3A_265 : vector<16xf32>
          %add3A_268 = arith.addf %add3A_238, %unpack3A_266 : vector<16xf32>
          %broadcast_in_dim3A_269 = arith.constant 0 : i32
          %broadcast_in_dim3A_270 = vector.broadcast %broadcast_in_dim3A_269 : i32 to vector<16xi32>
          %add3A_271 = arith.constant 4 : i32
          %add3A_272 = arith.addi %mul3A_211, %add3A_271 : i32
          %add3A_273 = vector.broadcast %add3A_272 : i32 to vector<16xi32>
          %add3A_274 = arith.addi %broadcast_in_dim3A_270, %add3A_273 : vector<16xi32>
          %gather3A_275 = tpu.vector_load_idx %arg12[%add3A_193, %add3A_274] : memref<128x129xi32, #tpu.memory_space<vmem>>[vector<16xi32>, vector<16xi32>], vector<16xi32>,
          %gather3A_276 = tpu.vector_load_idx %arg14[%add3A_193, %add3A_274] : memref<128x129xi32, #tpu.memory_space<vmem>>[vector<16xi32>, vector<16xi32>], vector<16xi32>,
          %bitcast3A_277 = vector.bitcast %gather3A_275 : vector<16xi32> to vector<32xbf16>
          %bitcast3A_278 = vector.bitcast %gather3A_276 : vector<16xi32> to vector<32xbf16>
          %mul3A_279 = arith.mulf %bitcast3A_277, %bitcast3A_278 : vector<32xbf16>
          %unpack3A_280 = tpu.unpack_subelements %mul3A_279, 0 {pack_format = #tpu.pack_format<interleaved>} : vector<32xbf16> -> vector<16xf32>
          %unpack3A_281 = tpu.unpack_subelements %mul3A_279, 1 {pack_format = #tpu.pack_format<interleaved>} : vector<32xbf16> -> vector<16xf32>
          %add3A_282 = arith.addf %add3A_252, %unpack3A_280 : vector<16xf32>
          %add3A_283 = arith.addf %add3A_253, %unpack3A_281 : vector<16xf32>
          %broadcast_in_dim3A_284 = arith.constant 0 : i32
          %broadcast_in_dim3A_285 = vector.broadcast %broadcast_in_dim3A_284 : i32 to vector<16xi32>
          %add3A_286 = arith.constant 5 : i32
          %add3A_287 = arith.addi %mul3A_211, %add3A_286 : i32
          %add3A_288 = vector.broadcast %add3A_287 : i32 to vector<16xi32>
          %add3A_289 = arith.addi %broadcast_in_dim3A_285, %add3A_288 : vector<16xi32>
          %gather3A_290 = tpu.vector_load_idx %arg12[%add3A_193, %add3A_289] : memref<128x129xi32, #tpu.memory_space<vmem>>[vector<16xi32>, vector<16xi32>], vector<16xi32>,
          %gather3A_291 = tpu.vector_load_idx %arg14[%add3A_193, %add3A_289] : memref<128x129xi32, #tpu.memory_space<vmem>>[vector<16xi32>, vector<16xi32>], vector<16xi32>,
          %bitcast3A_292 = vector.bitcast %gather3A_290 : vector<16xi32> to vector<32xbf16>
          %bitcast3A_293 = vector.bitcast %gather3A_291 : vector<16xi32> to vector<32xbf16>
          %mul3A_294 = arith.mulf %bitcast3A_292, %bitcast3A_293 : vector<32xbf16>
          %unpack3A_295 = tpu.unpack_subelements %mul3A_294, 0 {pack_format = #tpu.pack_format<interleaved>} : vector<32xbf16> -> vector<16xf32>
          %unpack3A_296 = tpu.unpack_subelements %mul3A_294, 1 {pack_format = #tpu.pack_format<interleaved>} : vector<32xbf16> -> vector<16xf32>
          %add3A_297 = arith.addf %add3A_267, %unpack3A_295 : vector<16xf32>
          %add3A_298 = arith.addf %add3A_268, %unpack3A_296 : vector<16xf32>
          %broadcast_in_dim3A_299 = arith.constant 0 : i32
          %broadcast_in_dim3A_300 = vector.broadcast %broadcast_in_dim3A_299 : i32 to vector<16xi32>
          %add3A_301 = arith.constant 6 : i32
          %add3A_302 = arith.addi %mul3A_211, %add3A_301 : i32
          %add3A_303 = vector.broadcast %add3A_302 : i32 to vector<16xi32>
          %add3A_304 = arith.addi %broadcast_in_dim3A_300, %add3A_303 : vector<16xi32>
          %gather3A_305 = tpu.vector_load_idx %arg12[%add3A_193, %add3A_304] : memref<128x129xi32, #tpu.memory_space<vmem>>[vector<16xi32>, vector<16xi32>], vector<16xi32>,
          %gather3A_306 = tpu.vector_load_idx %arg14[%add3A_193, %add3A_304] : memref<128x129xi32, #tpu.memory_space<vmem>>[vector<16xi32>, vector<16xi32>], vector<16xi32>,
          %bitcast3A_307 = vector.bitcast %gather3A_305 : vector<16xi32> to vector<32xbf16>
          %bitcast3A_308 = vector.bitcast %gather3A_306 : vector<16xi32> to vector<32xbf16>
          %mul3A_309 = arith.mulf %bitcast3A_307, %bitcast3A_308 : vector<32xbf16>
          %unpack3A_310 = tpu.unpack_subelements %mul3A_309, 0 {pack_format = #tpu.pack_format<interleaved>} : vector<32xbf16> -> vector<16xf32>
          %unpack3A_311 = tpu.unpack_subelements %mul3A_309, 1 {pack_format = #tpu.pack_format<interleaved>} : vector<32xbf16> -> vector<16xf32>
          %add3A_312 = arith.addf %add3A_282, %unpack3A_310 : vector<16xf32>
          %add3A_313 = arith.addf %add3A_283, %unpack3A_311 : vector<16xf32>
          %broadcast_in_dim3A_314 = arith.constant 0 : i32
          %broadcast_in_dim3A_315 = vector.broadcast %broadcast_in_dim3A_314 : i32 to vector<16xi32>
          %add3A_316 = arith.constant 7 : i32
          %add3A_317 = arith.addi %mul3A_211, %add3A_316 : i32
          %add3A_318 = vector.broadcast %add3A_317 : i32 to vector<16xi32>
          %add3A_319 = arith.addi %broadcast_in_dim3A_315, %add3A_318 : vector<16xi32>
          %gather3A_320 = tpu.vector_load_idx %arg12[%add3A_193, %add3A_319] : memref<128x129xi32, #tpu.memory_space<vmem>>[vector<16xi32>, vector<16xi32>], vector<16xi32>,
          %gather3A_321 = tpu.vector_load_idx %arg14[%add3A_193, %add3A_319] : memref<128x129xi32, #tpu.memory_space<vmem>>[vector<16xi32>, vector<16xi32>], vector<16xi32>,
          %bitcast3A_322 = vector.bitcast %gather3A_320 : vector<16xi32> to vector<32xbf16>
          %bitcast3A_323 = vector.bitcast %gather3A_321 : vector<16xi32> to vector<32xbf16>
          %mul3A_324 = arith.mulf %bitcast3A_322, %bitcast3A_323 : vector<32xbf16>
          %unpack3A_325 = tpu.unpack_subelements %mul3A_324, 0 {pack_format = #tpu.pack_format<interleaved>} : vector<32xbf16> -> vector<16xf32>
          %unpack3A_326 = tpu.unpack_subelements %mul3A_324, 1 {pack_format = #tpu.pack_format<interleaved>} : vector<32xbf16> -> vector<16xf32>
          %add3A_327 = arith.addf %add3A_297, %unpack3A_325 : vector<16xf32>
          %add3A_328 = arith.addf %add3A_298, %unpack3A_326 : vector<16xf32>
          scf.yield %add3A_312, %add3A_313, %add3A_327, %add3A_328 : vector<16xf32>, vector<16xf32>, vector<16xf32>, vector<16xf32>
        }
        %scan3A_200 = arith.constant 16 : i32
        %add3A_201 = arith.addf %scan3A_199#0, %scan3A_199#1 : vector<16xf32>
        %add3A_202 = arith.addf %scan3A_199#2, %scan3A_199#3 : vector<16xf32>
        %add3A_203 = arith.addf %add3A_201, %add3A_202 : vector<16xf32>
        %swap3A = arith.index_cast %mul3A_191 : i32 to index
        %swap3A_204 = tpu.vector_load %arg15[%swap3A] {strides = array<i32>} : memref<128xf32, #tpu.memory_space<vmem>>, vector<16xf32>,
        tpu.vector_store %arg15[%swap3A], %add3A_203 {strides = array<i32>} : memref<128xf32, #tpu.memory_space<vmem>>, vector<16xf32>,
      }
      %scan3A_172 = arith.constant 8 : i32
      %mul3A_173 = arith.constant 32 : i32
      %mul3A_174 = arith.muli %add3A_167, %mul3A_173 : i32
      %add3A_175 = arith.addi %add3A, %mul3A_174 : i32
      %lt3A_176 = arith.constant 1250 : i32
      %lt3A_177 = arith.cmpi slt, %add3A_175, %lt3A_176 : i32
      %mul3A_178 = arith.constant 128 : i32
      %mul3A_179 = arith.muli %add3A_175, %mul3A_178 : i32
      %jit3A_180 = arith.constant 0 : i32
      %select_n3A_181 = arith.select %lt3A_177, %mul3A_179, %jit3A_180 : i32
      %convert_element_type3A_182 = arith.extui %lt3A_177 : i1 to i32
      %cond3A_183 = arith.constant 0 : i32
      %cond3A_184 = arith.cmpi ne, %convert_element_type3A_182, %cond3A_183 : i32
      scf.if %cond3A_184 {
        "tpu.region"() ({
          %run_scoped3A = tpu.sem_alloc : memref<!tpu.dma_semaphore, #tpu.memory_space<semaphore_mem>>
          %dma_start3A_185 = tpu.memref_slice %arg6[%select_n3A_181] : memref<160000xf32, #tpu.memory_space<hbm>> -> memref<128xf32, #tpu.memory_space<hbm>>
          %dma_start3A_186 = tpu.memref_slice %arg6[%select_n3A_181] : memref<160000xf32, #tpu.memory_space<hbm>> -> memref<128xf32, #tpu.memory_space<hbm>>
          tpu.enqueue_dma source(%arg15 : memref<128xf32, #tpu.memory_space<vmem>>) target(%dma_start3A_186 : memref<128xf32, #tpu.memory_space<hbm>>) target_semaphore(%run_scoped3A : memref<!tpu.dma_semaphore, #tpu.memory_space<semaphore_mem>>)
          %dma_wait3A_187 = tpu.memref_slice %arg6[%select_n3A_181] : memref<160000xf32, #tpu.memory_space<hbm>> -> memref<128xf32, #tpu.memory_space<hbm>>
          %dma_wait3A_188 = tpu.memref_slice %arg6[%select_n3A_181] : memref<160000xf32, #tpu.memory_space<hbm>> -> memref<128xf32, #tpu.memory_space<hbm>>
          tpu.wait_dma2 semaphore(%run_scoped3A : memref<!tpu.dma_semaphore, #tpu.memory_space<semaphore_mem>>) src(%arg15 : memref<128xf32, #tpu.memory_space<vmem>>) dst(%dma_wait3A_188 : memref<128xf32, #tpu.memory_space<hbm>>)
          tpu.yield
        }) : () -> ()
      } else {
      }
    }
    %scan3A_41 = arith.constant 20 : i32
    %dma_wait3A_42 = arith.constant 0 : i32
    %dma_wait3A_43 = arith.constant 0 : i32
    %dma_wait3A_44 = tpu.memref_slice %arg2[%dma_wait3A_42, %dma_wait3A_43] : memref<10000x129xi32, #tpu.memory_space<hbm>> -> memref<10000x129xi32, #tpu.memory_space<hbm>>
    tpu.wait_indirect_dma semaphore(%arg16 : memref<!tpu.dma_semaphore, #tpu.memory_space<semaphore_mem>>) src(%dma_wait3A_44 : memref<10000x129xi32, #tpu.memory_space<hbm>>) dst(%arg11 : memref<128x129xi32, #tpu.memory_space<vmem>>)
    %dma_wait3A_45 = arith.constant 0 : i32
    %dma_wait3A_46 = arith.constant 0 : i32
    %dma_wait3A_47 = tpu.memref_slice %arg3[%dma_wait3A_45, %dma_wait3A_46] : memref<10000x129xi32, #tpu.memory_space<hbm>> -> memref<10000x129xi32, #tpu.memory_space<hbm>>
    tpu.wait_indirect_dma semaphore(%arg18 : memref<!tpu.dma_semaphore, #tpu.memory_space<semaphore_mem>>) src(%dma_wait3A_47 : memref<10000x129xi32, #tpu.memory_space<hbm>>) dst(%arg13 : memref<128x129xi32, #tpu.memory_space<vmem>>)
    %add3A_48 = arith.constant 1312 : i32
    %add3A_49 = arith.addi %add3A, %add3A_48 : i32
    %lt3A_50 = arith.constant 1250 : i32
    %lt3A_51 = arith.cmpi slt, %add3A_49, %lt3A_50 : i32
    %mul3A_52 = arith.constant 128 : i32
    %mul3A_53 = arith.muli %add3A_49, %mul3A_52 : i32
    %jit3A_54 = arith.constant 0 : i32
    %select_n3A_55 = arith.select %lt3A_51, %mul3A_53, %jit3A_54 : i32
    %dma_wait3A_56 = tpu.memref_slice %arg4[%select_n3A_55] : memref<160000xi32, #tpu.memory_space<hbm>> -> memref<128xi32, #tpu.memory_space<hbm>>
    %dma_wait3A_57 = tpu.memref_slice %arg4[%select_n3A_55] : memref<160000xi32, #tpu.memory_space<hbm>> -> memref<128xi32, #tpu.memory_space<hbm>>
    tpu.wait_dma2 semaphore(%arg21 : memref<!tpu.dma_semaphore, #tpu.memory_space<semaphore_mem>>) src(%dma_wait3A_57 : memref<128xi32, #tpu.memory_space<hbm>>) dst(%arg8 : memref<128xi32, #tpu.memory_space<vmem>>)
    %dma_wait3A_58 = tpu.memref_slice %arg5[%select_n3A_55] : memref<160000xi32, #tpu.memory_space<hbm>> -> memref<128xi32, #tpu.memory_space<hbm>>
    %dma_wait3A_59 = tpu.memref_slice %arg5[%select_n3A_55] : memref<160000xi32, #tpu.memory_space<hbm>> -> memref<128xi32, #tpu.memory_space<hbm>>
    tpu.wait_dma2 semaphore(%arg23 : memref<!tpu.dma_semaphore, #tpu.memory_space<semaphore_mem>>) src(%dma_wait3A_59 : memref<128xi32, #tpu.memory_space<hbm>>) dst(%arg10 : memref<128xi32, #tpu.memory_space<vmem>>)
    return
  }
}

</mosaic_0001>

<sc_bundles>
// kernel: kernel.3.cloned.1.call-start
scs
__scs_entry_jumppad:
0x0: {  	(pc) =	sbr.rel $0x88, $3  }
0x1: {  	(tag) =	ssettag $0x0;
	lr =	simm.s32 $0x1  }
0x2: {  	[smem:$0x3F9E] =	sst lr;
	_ =	strace $0xD0000000  }
0x3: {  	_ = 	snop  }
0x4: {  	_ = 	snop  }
0x5: {  	_ = 	snop  }
0x6: {  	_ = 	snop  }
0x7: {  	_ = 	snop  }
__scs_overlays_trampoline_lowered:
0x8: {  	[smem:$0x3FAD] =	sst s0  }
0x9: {  	[smem:$0x3FAE] =	sst s1  }
0xa: {  	[smem:$0x3FAF] =	sst s2  }
0xb: {  	[smem:$0x3FB0] =	sst s3  }
0xc: {  	[smem:$0x3FB1] =	sst s4  }
0xd: {  	[smem:$0x3FB2] =	sst s5  }
0xe: {  	[smem:$0x3FB3] =	sst s6  }
0xf: {  	[smem:$0x3FB4] =	sst s7  }
0x10: {  	[smem:$0x3FB5] =	sst s8  }
0x11: {  	[smem:$0x3FB6] =	sst s9;
	s0 =	simm.s32 @!p0 $0x0  }
0x12: {  	s1 =	sld [smem:$0x3F9C];
	s0 =	simm.s32 @p0 $0x1  }
0x13: {  	[smem:$0x3FB7] =	sst s0;
	s0 =	simm.s32 @!p1 $0x0  }
0x14: {  	s2 =	sld [smem:$0x3F9B];
	s0 =	simm.s32 @p1 $0x1  }
0x15: {  	[smem:$0x3FB8] =	sst s0;
	s0 =	simm.s32 @!p2 $0x0  }
0x16: {  	s3 =	sld [smem:$0x3FDB];
	s0 =	simm.s32 @p2 $0x1  }
0x17: {  	s4 =	simm.s32 $0x1BF5;
	[smem:$0x3FBA] =	sst s0  }
0x18: {  	s0 =	sld [smem:$0x3F9D];
	_ =	swait.ge [sflag:s4], $0x0  }
0x19: {  	s7 =	sld [smem:$0x3F9E]  }
0x1a: {  	s8 =	sadd.s32 $0xFFFFE003, lr  }
0x1b: {  	s9 =	sadd.s32 $0xFFFFFEF7, lr;
	s5 =	simm.s32 $0xFFFFFFFF;
	p2 =	slt.u32 s8, $0xFFFFF086  }
0x1c: {  	p1 =	slt.u32 s9, $0xF7A;
	s5 =	simm.s32 @!p2 $0x0  }
0x1d: {  	s5 =	simm.s32 @p1 $0x1;
	p0 =	seq.s32 s7, s2  }
0x1e: {  	s7 =	smul.u32 @!p0 $0xF7A, s2;
	p2 =	seq.s32 @!p0 s5, $0x0  }
0x1f: {  	s9 =	smul.u32 $0xF7A, s1;
	s8 =	simm.s32 @!p0 $0x1BF5;
	p2 =	por !p2, p0  }
0x20: {  	[sflag:s8] =	ssyncset.s32 @!p0 $0xFFFFF086;
	s6 =	sadd.s32 @!p0 s3, s7;
	s7 =	simm.s32 @!p0 $0x108  }
0x21: {  	s3 =	sadd.s32 s3, s9;
	s6 =	sadd.s32 @!p0 $0x88, s6;
	s7 =	simm.s32 @p2 $0x1082  }
0x22: {  	[simem:s7], [sflag:s8] =	dma.local @!p0 [hbm:s6], $0xF7A  }
0x23: {  	s9 =	sor.u32 $0xD0000000, s2;
	s6 =	simm.s32 $0x108;
	_ =	swait.ge @!p0 [sflag:s8], $0x0  }
0x24: {  	s3 =	sadd.s32 $0x88, s3;
	s6 =	simm.s32 @!p1 $0x1082;
	[sflag:s4] =	ssyncset.s32 $0xFFFFF086  }
0x25: {  	[simem:s6], [sflag:s4] =	dma.local [hbm:s3], $0xF7A  }
0x26: {  	[smem:$0x3F9E] =	sst s1;
	(tag) =	ssettag s2;
	_ =	strace s9  }
0x27: {  	s1 =	sld [smem:$0x3FAE]  }
0x28: {  	s2 =	sld [smem:$0x3FAF]  }
0x29: {  	s4 =	sld [smem:$0x3FB1]  }
0x2a: {  	p0 =	seq.s32 s5, $0x0;
	s5 =	sld [smem:$0x3FB2]  }
0x2b: {  	s6 =	sld [smem:$0x3FB3]  }
0x2c: {  	s7 =	sld [smem:$0x3FB4]  }
0x2d: {  	s3 =	simm.s32 $0x108;
	s8 =	sld [smem:$0x3FB5]  }
0x2e: {  	s3 =	simm.s32 @!p0 $0x1082;
	s9 =	sld [smem:$0x3FB6]  }
0x2f: {  	lr =	sadd.s32 s0, s3;
	s0 =	sld [smem:$0x3FAD]  }
0x30: {  	s3 =	sld [smem:$0x3FB0]  }
0x31: {  	[smem:$0x3FB9] =	sst s10  }
0x32: {  	s10 =	sld [smem:$0x3FB7];
	_ =	sdelay $0x3  }
0x33: {  	p0 =	seq.s32 s10, $0x1;
	s10 =	sld [smem:$0x3FB9];
	_ =	sdelay $0x3  }
0x34: {  	[smem:$0x3FB9] =	sst s10  }
0x35: {  	s10 =	sld [smem:$0x3FB8];
	_ =	sdelay $0x3  }
0x36: {  	p1 =	seq.s32 s10, $0x1;
	s10 =	sld [smem:$0x3FB9];
	_ =	sdelay $0x3  }
0x37: {  	[smem:$0x3FB9] =	sst s10  }
0x38: {  	s10 =	sld [smem:$0x3FBA]  }
0x39: {  	_ = 	snop;
	(pc) =	sbr.ind lr, $3  }
0x3a: {  	_ = 	snop  }
0x3b: {  	_ = 	snop  }
0x3c: {  	p2 =	seq.s32 s10, $0x1;
	s10 =	sld [smem:$0x3FB9]  }
0x3d: {  	_ =	shalt  }
0x3e: {  	_ =	shalt  }
0x3f: {  	_ =	shalt  }
0x40: {  	_ =	shalt  }
0x41: {  	_ =	shalt  }
0x42: {  	_ =	shalt  }
0x43: {  	_ =	shalt  }
0x44: {  	_ =	shalt  }
0x45: {  	_ =	shalt  }
0x46: {  	_ =	shalt  }
0x47: {  	_ =	shalt  }
0x48: {  	_ =	shalt  }
0x49: {  	_ =	shalt  }
0x4a: {  	_ =	shalt  }
0x4b: {  	_ =	shalt  }
0x4c: {  	_ =	shalt  }
0x4d: {  	_ =	shalt  }
0x4e: {  	_ =	shalt  }
0x4f: {  	_ =	shalt  }
0x50: {  	_ =	shalt  }
0x51: {  	_ =	shalt  }
0x52: {  	_ =	shalt  }
0x53: {  	_ =	shalt  }
0x54: {  	_ =	shalt  }
0x55: {  	_ =	shalt  }
0x56: {  	_ =	shalt  }
0x57: {  	_ =	shalt  }
0x58: {  	_ =	shalt  }
0x59: {  	_ =	shalt  }
0x5a: {  	_ =	shalt  }
0x5b: {  	_ =	shalt  }
0x5c: {  	_ =	shalt  }
0x5d: {  	_ =	shalt  }
0x5e: {  	_ =	shalt  }
0x5f: {  	_ =	shalt  }
0x60: {  	_ =	shalt  }
0x61: {  	_ =	shalt  }
0x62: {  	_ =	shalt  }
0x63: {  	_ =	shalt  }
0x64: {  	_ =	shalt  }
0x65: {  	_ =	shalt  }
0x66: {  	_ =	shalt  }
0x67: {  	_ =	shalt  }
0x68: {  	_ =	shalt  }
0x69: {  	_ =	shalt  }
0x6a: {  	_ =	shalt  }
0x6b: {  	_ =	shalt  }
0x6c: {  	_ =	shalt  }
0x6d: {  	_ =	shalt  }
0x6e: {  	_ =	shalt  }
0x6f: {  	_ =	shalt  }
0x70: {  	_ =	shalt  }
0x71: {  	_ =	shalt  }
0x72: {  	_ =	shalt  }
0x73: {  	_ =	shalt  }
0x74: {  	_ =	shalt  }
0x75: {  	_ =	shalt  }
0x76: {  	_ =	shalt  }
0x77: {  	_ =	shalt  }
0x78: {  	_ =	shalt  }
0x79: {  	_ =	shalt  }
0x7a: {  	_ =	shalt  }
0x7b: {  	_ =	shalt  }
0x7c: {  	_ =	shalt  }
0x7d: {  	_ =	shalt  }
0x7e: {  	_ =	shalt  }
0x7f: {  	_ =	shalt  }
0x80: {  	_ =	shalt  }
0x81: {  	_ =	shalt  }
0x82: {  	_ =	shalt  }
0x83: {  	_ =	shalt  }
0x84: {  	_ =	shalt  }
0x85: {  	_ =	shalt  }
0x86: {  	_ =	shalt  }
0x87: {  	_ =	shalt  }
.Lfunc_end0:
.L_simem_size_0:
called_computation_lowered:
.L_overlay_start_0:
0x88: {  	s2 =	sld [smem:$0x3FD9]  }
0x89: {  	s3 =	sld [smem:$0x3FFE];
	_ =	sdelay $0x1  }
0x8a: {  	s1 =	srdreg.scid  }
0x8b: {  	s0 =	sand.u32 $0x1, s1  }
0x8c: {  	s17 =	sshll.u32 s0, $0xA;
	s2 =	sadd.s32 s3, s2  }
0x8d: {  	s2 =	sadd.s32 s2, s17  }
0x8e: {  	[smem:$0x3FC5] =	sst s2  }
0x8f: {  	_ = 	snop  }
0x90: {  	s2 =	sld [smem:$0x3FD0];
	(tm) =	ssettm $0x1  }
0x91: {  	s18 =	sld [smem:$0x3FFB];
	_ =	sdelay $0x3  }
0x92: {  	_ =	strace s18  }
0x93: {  	s3 =	sld [smem:$0x3FFC];
	_ =	sdelay $0x3  }
0x94: {  	_ =	strace s3  }
0x95: {  	s3 =	sld [smem:$0x3FFD];
	_ =	sdelay $0x3  }
0x96: {  	_ =	strace s3  }
0x97: {  	_ =	strace $0x8FFFFFFF  }
0x98: {  	s19 =	sld [smem:$0x3FDB];
	_ =	sdelay $0x1  }
0x99: {  	s4 =	simm.s32 $_scs_section_size  }
0x9a: {  	s5 =	simm.s32 $_size__tile_overlayer_lowered;
	s6 =	simm.s32 $_tile_overlayer_lowered  }
0x9b: {  	s22 =	simm.s32 $0x1BFF;
	s21 =	sshll.u32 s6, $0x1;
	s3 =	sadd.s32 s4, s19  }
0x9c: {  	s7 =	simm.s32 $0x0;
	s20 =	sshll.u32 s5, $0x1;
	s5 =	sadd.s32 s21, s3  }
0x9d: {  	[timem:s7], [sflag:s22] =	dma.local [hbm:s5], s20  }
0x9e: {  	_ =	swait.ge [sflag:s22], s20  }
0x9f: {  	s4 =	ssub.s32 $0x0, s20;
	[sflag:s22] =	ssyncset.done $0x0  }
0xa0: {  	[sflag:s22] =	ssyncadd.s32 s4;
	_ =	sdelay $0x1  }
0xa1: {  	s23 =	simm.s32 $0x1B8B  }
0xa2: {  	_ =	swait.ge [sflag:s23], $0x1  }
0xa3: {  	[sflag:s23] =	ssyncset.done $0x0  }
0xa4: {  	s25 =	simm.s32 $0x1B8E;
	s24 =	sld [smem:$0x3FFE];
	[sflag:s23] =	ssyncadd.s32 $0xFFFFFFFF  }
0xa5: {  	s26 =	simm.s32 $execute0_lowered;
	[smem:$0x3FD2] =	sst s25  }
0xa6: {  	s5 =	sshll.u32 s26, $0x1;
	_ =	strace $0x80000046;
	[dreg:$0x1] =	wrdreg $0xFFFFFFFF  }
0xa7: {  	s28 =	simm.s32 $_size_execute0_lowered;
	s3 =	sadd.s32 s3, s5;
	[dreg:$0x0] =	wrdreg $0x0  }
0xa8: {  	s5 =	sshll.u32 s28, $0x1;
	[dreg:$0x2] =	wrdreg s3  }
0xa9: {  	[dreg:$0x3] =	wrdreg s5  }
0xaa: {  	[dreg:$0x4] =	wrdreg $0xC0  }
0xab: {  	_ =	task [dreg:s7], $0x5FFFF  }
0xac: {  	[dreg:$0x1] =	wrdreg $0xFFFFFFFF  }
0xad: {  	[dreg:$0x0] =	wrdreg $0x60  }
0xae: {  	[dreg:$0x2] =	wrdreg s24  }
0xaf: {  	[dreg:$0x3] =	wrdreg s2  }
0xb0: {  	[dreg:$0x4] =	wrdreg $0x9  }
0xb1: {  	_ =	task.clear_ibuf [dreg:s7], $0x5FFFF;
	_ =	strace $0x90000046  }
0xb2: {  	s29 =	simm.s32 $0x9;
	_ =	strace $0x80000048  }
0xb3: {  	_ =	swait.ge [sflag:s29], $0x1  }
0xb4: {  	[sflag:s29] =	ssyncadd.s32 $0xFFFFFFFF  }
0xb5: {  	_ =	strace $0x90000048  }
0xb6: {  	_ =	sfence  }
0xb7: {  	s30 =	sld [smem:$0x0];
	_ =	sdelay $0x2  }
0xb8: {  	s31 =	sshll.u32 s1, $0xD;
	s1 =	sshrl.u32 s1, $0x2  }
0xb9: {  	s3 =	sand.u32 $0x4000, s31;
	s1 =	sadd.s32 s1, s30  }
0xba: {  	s0 =	sor.u32 s3, s0;
	s1 =	sshll.u32 s1, $0x11  }
0xbb: {  	s0 =	sor.u32 s1, s0  }
0xbc: {  	s0 =	sadd.s32 $0x8F2B, s0  }
0xbd: {  	[sflag:s0] =	ssyncadd.remote.s32 $0x1  }
0xbe: {  	_ =	sfence.sel $0xFFFF  }
0xbf: {  	[dreg:$0x0] =	wrdreg $0xFFFFFFFF;
	(pc) =	sbr.abs _section_cstart, $3  }
0xc0: {  	[dreg:$0x1] =	wrdreg $0xFFFFFFFF  }
0xc1: {  	_ =	task.clear_ibuf [dreg:s7], $0x2FFFF;
	_ =	strace $0x9FFFFFFF  }
0xc2: {  	(tm) =	ssettm $0x7FFFFFFF  }
0xc3: {  	_ =	shalt  }
tec
execute0_lowered:
.L_overlay_start_1:
0x0: {  	(tag) =	ssettag $0x1  }
0x1: {  	s0 =	rddreg [dreg:$0x0]  }
0x2: {  	s1 =	rddreg [dreg:$0x1];
	s2 =	simm.s32 $0x0  }
0x3: {  	s22 =	srdreg.scid;
	s3 =	stileid.u32;
	s16 =	simm.s32 $0x100  }
0x4: {  	s17 =	simm.s32 $0x5;
	s18 =	simm.s32 $0x7;
	s19 =	simm.s32 $0x80  }
0x5: {  	s20 =	simm.s32 $0x200;
	s21 =	simm.s32 $0x8A00;
	s28 =	simm.s32 $0x1  }
0x6: {  	s29 =	simm.s32 $0x3;
	s31 =	simm.s32 $0xA;
	[smem:$0x7FF] =	sst s2  }
0x7: {  	s4 =	sadd.s32 $0xA00, s0;
	s5 =	sadd.s32 $0x2A400, s0;
	s2 =	sand.u32 $0x1, s22  }
0x8: {  	s3 =	sshll.u32 s3, $0x1;
	s6 =	sadd.s32 $0x58E00, s0;
	s8 =	sadd.s32 $0x53E00, s0  }
0x9: {  	s22 =	simm.s32 $0x180;
	_ =	strace $0x80000047;
	s9 =	ssub.s32 $0x2, s2  }
0xa: {  	s7 =	sor.u32 s2, s3;
	s3 =	simm.s32 $0x4;
	s23 =	sshrl.u32 s9, $0x1  }
0xb: {  	s2 =	sshll.u32 s7, $0x4;
	s13 =	sor.u32 $0x40, s7;
	s14 =	sor.u32 $0x60, s7  }
0xc: {  	v0 =	vlaneseq.u32;
	s0 =	ssub.s32 s9, s23;
	s24 =	sadd.s32 s6, s2;
	s25 =	sor.u32 $0x200, s2  }
0xd: {  	v0 =	vmul.u32 $0x88, v0;
	s2 =	sadd.s32 s8, s2;
	s23 =	simm.s32 $0x6;
	[dreg:$0x3] =	wrdreg s24  }
0xe: {  	s9 =	simm.s32 $0x0;
	[dreg:$0x4] =	wrdreg s2;
	s26 =	sadd.s32 s6, s25  }
0xf: {  	v1 =	vor.u32 $0x1, v0;
	s30 =	sadd.s32 s8, s25;
	s0 =	smax.u32 s0, $0x1;
	[dreg:$0x5] =	wrdreg s26  }
0x10: {  	v2 =	vor.u32 $0x2, v0;
	v3 =	vor.u32 $0x3, v0;
	v4 =	vor.u32 $0x4, v0;
	s24 =	simm.s32 $0x8;
	s25 =	simm.s32 $0x4600;
	[dreg:$0x6] =	wrdreg s30  }
0x11: {  	v5 =	vor.u32 $0x5, v0;
	v6 =	vor.u32 $0x6, v0;
	v7 =	vor.u32 $0x7, v0;
	[dreg:$0x7] =	wrdreg s0;
	s26 =	simm.s32 $0xCE00;
	s0 =	simm.s32 $0x2  }
.LBB2_1:
0x12: {  	[dreg:$0x8] =	wrdreg s9  }
0x13: {  	s2 =	simm.s32 $0x0;
	s11 =	rddreg [dreg:$0x3]  }
0x14: {  	[tilespmem:s2], [sflag:$0x5] =	stream.linear.gather [hbm4b:s11+s2], $0x80, $0x38;
	[tilespmem:$0x11280] =	vst v63  }
0x15: {  	s12 =	rddreg [dreg:$0x4]  }
0x16: {  	[tilespmem:s16], [sflag:$0x7] =	stream.linear.gather [hbm4b:s12+s2], $0x80, $0x38;
	[tilespmem:$0x11280] =	vst v63  }
0x17: {  	_ =	swait.ge [sflag:s17], $0x80  }
0x18: {  	[sflag:s17] =	ssyncset.done $0x0  }
0x19: {  	[sflag:s17] =	ssyncadd.s32 $0xFFFFFF80  }
0x1a: {  	_ =	swait.ge [sflag:s18], $0x80  }
0x1b: {  	[sflag:s18] =	ssyncset.done $0x0  }
0x1c: {  	[sflag:s18] =	ssyncadd.s32 $0xFFFFFF80  }
0x1d: {  	[tilespmem:s20], [sflag:$0x1] =	stream.indirect.gather [hbm4b:s4+s19], $0x81, s2, s19, $0xb8;
	[tilespmem:$0x11280] =	vst v63  }
0x1e: {  	_ = 	snop  }
0x1f: {  	[tilespmem:s21], [sflag:$0x3] =	stream.indirect.gather [hbm4b:s5+s19], $0x81, s16, s19, $0xb8;
	[tilespmem:$0x11280] =	vst v63  }
0x20: {  	s15 =	rddreg [dreg:$0x5]  }
0x21: {  	[tilespmem:s19], [sflag:$0x6] =	stream.linear.gather [hbm4b:s15+s2], $0x80, $0x38;
	[tilespmem:$0x11280] =	vst v63  }
0x22: {  	s10 =	simm.s32 $0x0;
	s30 =	rddreg [dreg:$0x6]  }
0x23: {  	[tilespmem:s22], [sflag:$0x8] =	stream.linear.gather [hbm4b:s30+s2], $0x80, $0x38;
	[tilespmem:$0x11280] =	vst v63  }
.LBB2_2:
0x24: {  	_ =	swait.ge [sflag:s23], $0x80  }
0x25: {  	[sflag:s23] =	ssyncset.done $0x0  }
0x26: {  	[sflag:s23] =	ssyncadd.s32 $0xFFFFFF80  }
0x27: {  	_ =	swait.ge [sflag:s24], $0x80  }
0x28: {  	[sflag:s24] =	ssyncset.done $0x0  }
0x29: {  	[sflag:s24] =	ssyncadd.s32 $0xFFFFFF80  }
0x2a: {  	[tilespmem:s25], [sflag:$0x2] =	stream.indirect.gather [hbm4b:s4+s19], $0x81, s19, s19, $0xb8;
	[tilespmem:$0x11280] =	vst v63  }
0x2b: {  	_ = 	snop  }
0x2c: {  	[tilespmem:s26], [sflag:$0x4] =	stream.indirect.gather [hbm4b:s5+s19], $0x81, s22, s19, $0xb8;
	[tilespmem:$0x11280] =	vst v63  }
0x2d: {  	_ =	swait.ge [sflag:s28], $0x4080  }
0x2e: {  	s11 =	sshll.u32 s10, $0x6;
	[sflag:s28] =	ssyncset.done $0x0  }
0x2f: {  	s2 =	sadd.s32 s13, s11;
	[sflag:s28] =	ssyncadd.s32 $0xFFFFBF80  }
0x30: {  	p0 =	slt.u32 s2, $0x4E2;
	s2 =	sshll.u32 s2, $0x4;
	_ =	swait.ge [sflag:s29], $0x4080  }
0x31: {  	s2 =	simm.s32 @!p0 $0x0;
	[sflag:s29] =	ssyncset.done $0x0  }
0x32: {  	s12 =	simm.s32 $0x0;
	s9 =	sadd.s32 s6, s2;
	[sflag:s29] =	ssyncadd.s32 $0xFFFFBF80  }
0x33: {  	[tilespmem:s12], [sflag:$0x5] =	stream.linear.gather [hbm4b:s9+s12], $0x80, $0x38;
	[tilespmem:$0x11280] =	vst v63  }
0x34: {  	s15 =	simm.s32 $0x0;
	s2 =	sadd.s32 s8, s2  }
0x35: {  	[tilespmem:s16], [sflag:$0x7] =	stream.linear.gather [hbm4b:s2+s12], $0x80, $0x38;
	[tilespmem:$0x11280] =	vst v63  }
.LBB2_3:
0x36: {  	s2 =	sshll.u32 s15, $0x4  }
0x37: {  	v9 =	vmov s12;
	v8 =	vmov s2  }
0x38: {  	v9 =	vshrl.u32 v9, $0x3;
	v8 =	vmul.u32 $0x88, v8  }
0x39: {  	v9 =	vshll.u32 v9, $0x3  }
0x3a: {  	v9 =	vadd.s32 v8, v9  }
0x3b: {  	v9 =	vbroadcast v9, $0x0;
	_ =	sdelay $0x1  }
0x3c: {  	v10 =	vadd.s32 v0, v9  }
0x3d: {  	v11 =	vadd.s32 v7, v9  }
0x3e: {  	v12 =	vadd.s32 v1, v9;
	_ =	sdelay $0x1  }
0x3f: {  	v13 =	vadd.s32 v6, v9  }
0x40: {  	v14 =	vld.idx.msk [tilespmem:v10+s20+$0x0], $0xffff  }
0x41: {  	v15 =	vadd.s32 v2, v9;
	v16 =	vld.idx.msk [tilespmem:v11+s21+$0x0], $0xffff  }
0x42: {  	v17 =	vadd.s32 v3, v9;
	v18 =	vld.idx.msk [tilespmem:v12+s21+$0x0], $0xffff  }
0x43: {  	v10 =	vld.idx.msk [tilespmem:v10+s21+$0x0], $0xffff  }
0x44: {  	v19 =	vadd.s32 v4, v9;
	v20 =	vld.idx.msk [tilespmem:v13+s21+$0x0], $0xffff  }
0x45: {  	v13 =	vld.idx.msk [tilespmem:v13+s20+$0x0], $0xffff  }
0x46: {  	v22 =	vld.idx.msk [tilespmem:v15+s21+$0x0], $0xffff  }
0x47: {  	s9 =	simm.s32 $0x8;
	v23 =	vld.idx.msk [tilespmem:v17+s20+$0x0], $0xffff  }
0x48: {  	v21 =	vmov s9;
	v11 =	vld.idx.msk [tilespmem:v11+s20+$0x0], $0xffff  }
0x49: {  	v21 =	vshrl.u32 v21, $0x3;
	v9 =	vadd.s32 v5, v9;
	v24 =	vld.idx.msk [tilespmem:v19+s20+$0x0], $0xffff  }
0x4a: {  	v21 =	vshll.u32 v21, $0x3;
	v19 =	vld.idx.msk [tilespmem:v19+s21+$0x0], $0xffff  }
0x4b: {  	v21 =	vadd.s32 v8, v21;
	v15 =	vld.idx.msk [tilespmem:v15+s20+$0x0], $0xffff  }
0x4c: {  	v21 =	vbroadcast v21, $0x0;
	v27 =	vld.idx.msk [tilespmem:v12+s20+$0x0], $0xffff  }
0x4d: {  	v17 =	vld.idx.msk [tilespmem:v17+s21+$0x0], $0xffff  }
0x4e: {  	v25 =	vadd.s32 v0, v21;
	v31 =	vld.idx.msk [tilespmem:v9+s21+$0x0], $0xffff  }
0x4f: {  	v26 =	vimm.f32 $0.0e+00;
	v28 =	vadd.s32 v7, v21;
	v32 =	vld.idx.msk [tilespmem:v9+s20+$0x0], $0xffff  }
0x50: {  	v29 =	vadd.s32 v1, v21;
	v30 =	vadd.s32 v2, v21;
	v34 =	vadd.s32 v3, v21  }
0x51: {  	v35 =	vadd.s32 v4, v21;
	v13 =	vmul.bf16 v20, v13;
	v33 =	vmul.bf16 v16, v11  }
0x52: {  	v12 =	vadd.s32 v5, v21;
	v24 =	vmul.bf16 v19, v24;
	v14 =	vmul.bf16 v10, v14  }
0x53: {  	v20 =	vadd.s32 v6, v21;
	v11 =	vld.idx.msk [tilespmem:v25+s20+$0x0], $0xffff;
	v19 =	vmul.bf16 v22, v15;
	v18 =	vmul.bf16 v18, v27  }
0x54: {  	v17 =	vmul.bf16 v17, v23;
	v16 =	vld.idx.msk [tilespmem:v25+s21+$0x0], $0xffff;
	v25 =	vmul.bf16 v31, v32;
	v9 =	vunpack.i.l.bf16.f32 v33  }
0x55: {  	v15 =	vld.idx.msk [tilespmem:v28+s21+$0x0], $0xffff;
	v21 =	vunpack.i.u.bf16.f32 v24;
	v22 =	vunpack.i.u.bf16.f32 v14;
	v27 =	vunpack.i.l.bf16.f32 v13  }
0x56: {  	v10 =	vld.idx.msk [tilespmem:v29+s21+$0x0], $0xffff;
	v14 =	vunpack.i.l.bf16.f32 v14;
	v36 =	vunpack.i.l.bf16.f32 v19;
	v23 =	vunpack.i.u.bf16.f32 v18  }
0x57: {  	v28 =	vld.idx.msk [tilespmem:v28+s20+$0x0], $0xffff;
	v31 =	vunpack.i.u.bf16.f32 v19;
	v38 =	vunpack.i.u.bf16.f32 v17;
	v14 =	vadd.f32 v14, v26  }
0x58: {  	v17 =	vunpack.i.l.bf16.f32 v17;
	v19 =	vld.idx.msk [tilespmem:v30+s21+$0x0], $0xffff;
	v24 =	vunpack.i.l.bf16.f32 v24;
	v22 =	vadd.f32 v22, v26  }
0x59: {  	s30 =	simm.s32 $0x10;
	v40 =	vunpack.i.l.bf16.f32 v25;
	v13 =	vunpack.i.u.bf16.f32 v13;
	v37 =	vld.idx.msk [tilespmem:v20+s21+$0x0], $0xffff;
	v14 =	vadd.f32 v36, v14  }
0x5a: {  	v39 =	vld.idx.msk [tilespmem:v20+s20+$0x0], $0xffff;
	v20 =	vunpack.i.l.bf16.f32 v18;
	v22 =	vadd.f32 v31, v22;
	v31 =	vmov s30  }
0x5b: {  	v30 =	vld.idx.msk [tilespmem:v30+s20+$0x0], $0xffff;
	v63 =	vadd.f32 v20, v26;
	v20 =	vshrl.u32 v31, $0x3;
	v14 =	vadd.f32 v24, v14  }
0x5c: {  	v33 =	vunpack.i.u.bf16.f32 v33;
	v23 =	vadd.f32 v23, v26;
	v18 =	vld.idx.msk [tilespmem:v34+s20+$0x0], $0xffff;
	v24 =	vshll.u32 v20, $0x3  }
0x5d: {  	v26 =	vld.idx.msk [tilespmem:v35+s20+$0x0], $0xffff;
	v21 =	vadd.f32 v21, v22;
	v20 =	vadd.f32 v27, v14;
	v14 =	vadd.s32 v8, v24  }
0x5e: {  	v36 =	vadd.f32 v38, v23;
	v31 =	vld.idx.msk [tilespmem:v35+s21+$0x0], $0xffff;
	v17 =	vadd.f32 v17, v63;
	v32 =	vbroadcast v14, $0x0  }
0x5f: {  	v35 =	vunpack.i.u.bf16.f32 v25;
	v25 =	vld.idx.msk [tilespmem:v34+s21+$0x0], $0xffff;
	v22 =	vadd.f32 v13, v21;
	v14 =	vmul.bf16 v37, v39  }
0x60: {  	v24 =	vld.idx.msk [tilespmem:v29+s20+$0x0], $0xffff;
	v34 =	vadd.f32 v40, v17;
	v27 =	vadd.s32 v0, v32;
	v13 =	vadd.s32 v1, v32  }
0x61: {  	s9 =	simm.s32 $0x18;
	v29 =	vld.idx.msk [tilespmem:v12+s21+$0x0], $0xffff;
	v17 =	vadd.s32 v2, v32;
	v23 =	vadd.s32 v6, v32;
	v21 =	vadd.s32 v7, v32  }
.LBB2_4:
0x62: {  	p0 =	sne.s32 s9, $0x78;
	v37 =	vadd.s32 v3, v32;
	v38 =	vld.idx.msk [tilespmem:v12+s20+$0x0], $0xffff;
	v39 =	vmul.bf16 v15, v28;
	v15 =	vadd.f32 v35, v36;
	s30 =	smov.u32 s9;
	s9 =	sadd.s32 $0x8, s9  }
0x63: {  	v35 =	vadd.s32 v4, v32;
	v12 =	vadd.s32 v5, v32;
	v26 =	vmul.bf16 v31, v26  }
0x64: {  	v16 =	vmul.bf16 v16, v11;
	v28 =	vunpack.i.l.bf16.f32 v39;
	v31 =	vadd.f32 v33, v15  }
0x65: {  	v32 =	vadd.f32 v9, v34;
	v19 =	vmul.bf16 v19, v30;
	v30 =	vunpack.i.u.bf16.f32 v26;
	v11 =	vld.idx.msk [tilespmem:v27+s20+$0x0], $0xffff;
	v9 =	vmovc v28  }
0x66: {  	v24 =	vmul.bf16 v10, v24;
	v33 =	vunpack.i.l.bf16.f32 v14;
	v28 =	vunpack.i.u.bf16.f32 v16;
	v15 =	vld.idx.msk [tilespmem:v21+s21+$0x0], $0xffff  }
0x67: {  	v34 =	vunpack.i.l.bf16.f32 v16;
	v36 =	vunpack.i.l.bf16.f32 v19;
	v18 =	vmul.bf16 v25, v18;
	v10 =	vld.idx.msk [tilespmem:v13+s21+$0x0], $0xffff  }
0x68: {  	v20 =	vadd.f32 v34, v20;
	v25 =	vunpack.i.u.bf16.f32 v24;
	v16 =	vld.idx.msk [tilespmem:v27+s21+$0x0], $0xffff;
	v27 =	vmul.bf16 v29, v38  }
0x69: {  	v22 =	vadd.f32 v28, v22;
	v28 =	vunpack.i.u.bf16.f32 v19;
	v34 =	vunpack.i.u.bf16.f32 v18;
	v29 =	vld.idx.msk [tilespmem:v23+s21+$0x0], $0xffff  }
0x6a: {  	v24 =	vunpack.i.l.bf16.f32 v24;
	v20 =	vadd.f32 v36, v20;
	v36 =	vunpack.i.l.bf16.f32 v18;
	v23 =	vld.idx.msk [tilespmem:v23+s20+$0x0], $0xffff  }
0x6b: {  	v26 =	vunpack.i.l.bf16.f32 v26;
	v25 =	vadd.f32 v25, v31;
	v22 =	vadd.f32 v28, v22;
	v19 =	vld.idx.msk [tilespmem:v17+s21+$0x0], $0xffff  }
0x6c: {  	v24 =	vadd.f32 v24, v32;
	v28 =	vmov s30;
	v20 =	vadd.f32 v26, v20;
	v18 =	vld.idx.msk [tilespmem:v37+s20+$0x0], $0xffff  }
0x6d: {  	v14 =	vunpack.i.u.bf16.f32 v14;
	v26 =	vshrl.u32 v28, $0x3;
	v28 =	vld.idx.msk [tilespmem:v21+s20+$0x0], $0xffff;
	v21 =	vunpack.i.l.bf16.f32 v27  }
0x6e: {  	v31 =	vshll.u32 v26, $0x3;
	v22 =	vadd.f32 v30, v22;
	v20 =	vadd.f32 v33, v20;
	v26 =	vld.idx.msk [tilespmem:v35+s20+$0x0], $0xffff  }
.Ltmp0:
0x6f: {  	v38 =	vadd.f32 v36, v24;
	v30 =	vadd.s32 v8, v31;
	v31 =	vld.idx.msk [tilespmem:v35+s21+$0x0], $0xffff;
	v35 =	vunpack.i.u.bf16.f32 v27;
	(pc) =	sbr.rel @p0 .LBB2_4-.Ltmp0, $4  }
0x70: {  	v36 =	vadd.f32 v34, v25;
	v32 =	vbroadcast v30, $0x0;
	v22 =	vadd.f32 v14, v22;
	v30 =	vld.idx.msk [tilespmem:v17+s20+$0x0], $0xffff  }
0x71: {  	v33 =	vunpack.i.u.bf16.f32 v39;
	v14 =	vmul.bf16 v29, v23;
	v24 =	vld.idx.msk [tilespmem:v13+s20+$0x0], $0xffff  }
0x72: {  	v34 =	vadd.f32 v21, v38;
	v27 =	vadd.s32 v0, v32;
	v13 =	vadd.s32 v1, v32;
	v25 =	vld.idx.msk [tilespmem:v37+s21+$0x0], $0xffff  }
0x73: {  	v21 =	vadd.s32 v7, v32;
	v23 =	vadd.s32 v6, v32;
	v17 =	vadd.s32 v2, v32;
	v29 =	vld.idx.msk [tilespmem:v12+s21+$0x0], $0xffff  }
0x74: {  	_ =	sdelay $0x3  }
0x75: {  	v8 =	vld.idx.msk [tilespmem:v12+s20+$0x0], $0xffff  }
0x76: {  	v15 =	vmul.bf16 v15, v28;
	v28 =	vld.idx.msk [tilespmem:v27+s20+$0x0], $0xffff  }
0x77: {  	v51 =	vld.idx.msk [tilespmem:v21+s21+$0x0], $0xffff  }
0x78: {  	v37 =	vld.idx.msk [tilespmem:v13+s21+$0x0], $0xffff  }
0x79: {  	v49 =	vadd.s32 v3, v32;
	v54 =	vld.idx.msk [tilespmem:v27+s21+$0x0], $0xffff  }
0x7a: {  	v35 =	vadd.f32 v35, v36;
	v50 =	vadd.s32 v4, v32;
	v26 =	vmul.bf16 v31, v26;
	v56 =	vld.idx.msk [tilespmem:v23+s21+$0x0], $0xffff  }
0x7b: {  	v52 =	vadd.s32 v5, v32;
	v11 =	vmul.bf16 v16, v11;
	v9 =	vadd.f32 v9, v34;
	v58 =	vld.idx.msk [tilespmem:v23+s20+$0x0], $0xffff  }
0x7c: {  	v57 =	vunpack.i.l.bf16.f32 v14;
	v60 =	vld.idx.msk [tilespmem:v17+s21+$0x0], $0xffff;
	v44 =	vunpack.i.u.bf16.f32 v14;
	v19 =	vmul.bf16 v19, v30  }
0x7d: {  	v38 =	vld.idx.msk [tilespmem:v21+s20+$0x0], $0xffff;
	v16 =	vunpack.i.l.bf16.f32 v15;
	v33 =	vadd.f32 v33, v35;
	v53 =	vunpack.i.u.bf16.f32 v26  }
0x7e: {  	v43 =	vld.idx.msk [tilespmem:v17+s20+$0x0], $0xffff;
	v55 =	vunpack.i.u.bf16.f32 v11;
	v11 =	vunpack.i.l.bf16.f32 v11;
	v10 =	vmul.bf16 v10, v24  }
0x7f: {  	v46 =	vld.idx.msk [tilespmem:v13+s20+$0x0], $0xffff;
	v26 =	vunpack.i.l.bf16.f32 v26;
	v15 =	vunpack.i.u.bf16.f32 v15;
	v11 =	vadd.f32 v11, v20  }
0x80: {  	v59 =	vunpack.i.l.bf16.f32 v19;
	v18 =	vmul.bf16 v25, v18;
	v22 =	vadd.f32 v55, v22;
	v62 =	vld.idx.msk [tilespmem:v49+s20+$0x0], $0xffff  }
0x81: {  	v19 =	vunpack.i.u.bf16.f32 v19;
	v61 =	vunpack.i.u.bf16.f32 v10;
	v10 =	vunpack.i.l.bf16.f32 v10;
	v39 =	vld.idx.msk [tilespmem:v50+s20+$0x0], $0xffff  }
0x82: {  	v8 =	vmul.bf16 v29, v8;
	v11 =	vadd.f32 v59, v11;
	v63 =	vunpack.i.u.bf16.f32 v18;
	v41 =	vld.idx.msk [tilespmem:v50+s21+$0x0], $0xffff  }
0x83: {  	v19 =	vadd.f32 v19, v22;
	v18 =	vunpack.i.l.bf16.f32 v18;
	v47 =	vmul.bf16 v56, v58;
	v12 =	vld.idx.msk [tilespmem:v49+s21+$0x0], $0xffff  }
0x84: {  	v40 =	vadd.f32 v61, v33;
	v48 =	vld.idx.msk [tilespmem:v52+s21+$0x0], $0xffff;
	v21 =	vmul.bf16 v51, v38;
	v50 =	vmul.bf16 v54, v28  }
0x85: {  	v9 =	vadd.f32 v10, v9;
	v49 =	vld.idx.msk [tilespmem:v52+s20+$0x0], $0xffff;
	v52 =	vmul.bf16 v60, v43;
	v13 =	vmul.bf16 v37, v46  }
0x86: {  	v11 =	vadd.f32 v26, v11;
	v42 =	vunpack.i.l.bf16.f32 v8;
	v19 =	vadd.f32 v53, v19  }
0x87: {  	v9 =	vadd.f32 v18, v9;
	v45 =	vadd.f32 v63, v40;
	v8 =	vunpack.i.u.bf16.f32 v8  }
0x88: {  	v51 =	vunpack.i.l.bf16.f32 v21;
	v54 =	vunpack.i.u.bf16.f32 v50;
	v22 =	vunpack.i.l.bf16.f32 v50  }
0x89: {  	v25 =	vunpack.i.l.bf16.f32 v52;
	v55 =	vunpack.i.u.bf16.f32 v13;
	v13 =	vunpack.i.l.bf16.f32 v13  }
0x8a: {  	v58 =	vunpack.i.l.bf16.f32 v47;
	v8 =	vadd.f32 v8, v45;
	v9 =	vadd.f32 v42, v9  }
0x8b: {  	v11 =	vadd.f32 v57, v11;
	v14 =	vadd.f32 v44, v19;
	v10 =	vmul.bf16 v41, v39  }
0x8c: {  	v12 =	vmul.bf16 v12, v62;
	v8 =	vadd.f32 v15, v8;
	v9 =	vadd.f32 v16, v9  }
0x8d: {  	v18 =	vmul.bf16 v48, v49;
	v11 =	vadd.f32 v22, v11;
	v14 =	vadd.f32 v54, v14  }
0x8e: {  	v15 =	vunpack.i.u.bf16.f32 v52;
	v53 =	vunpack.i.u.bf16.f32 v10;
	v56 =	vunpack.i.u.bf16.f32 v12  }
0x8f: {  	v10 =	vunpack.i.l.bf16.f32 v10;
	v8 =	vadd.f32 v55, v8;
	v9 =	vadd.f32 v13, v9  }
0x90: {  	v12 =	vunpack.i.l.bf16.f32 v12;
	v11 =	vadd.f32 v25, v11;
	v57 =	vadd.f32 v15, v14  }
0x91: {  	v59 =	vunpack.i.l.bf16.f32 v18;
	v9 =	vadd.f32 v12, v9;
	v8 =	vadd.f32 v56, v8  }
0x92: {  	v60 =	vunpack.i.u.bf16.f32 v18;
	v10 =	vadd.f32 v10, v11;
	v13 =	vadd.f32 v53, v57  }
0x93: {  	v61 =	vunpack.i.u.bf16.f32 v47;
	v9 =	vadd.f32 v59, v9;
	v8 =	vadd.f32 v60, v8  }
0x94: {  	v63 =	vunpack.i.u.bf16.f32 v21;
	v10 =	vadd.f32 v58, v10;
	v62 =	vadd.f32 v61, v13  }
0x95: {  	s15 =	sadd.s32 $0x1, s15;
	v8 =	vadd.f32 v63, v8;
	v9 =	vadd.f32 v51, v9  }
0x96: {  	p0 =	sne.s32 s15, $0x8  }
.Ltmp1:
0x97: {  	v10 =	vadd.f32 v62, v10;
	v8 =	vadd.f32 v8, v9;
	(pc) =	sbr.rel @p0 .LBB2_3-.Ltmp1, $3  }
0x98: {  	_ = 	snop  }
0x99: {  	v8 =	vadd.f32 v8, v10;
	_ =	sdelay $0x1  }
0x9a: {  	[tilespmem:s2+$0x11200] =	vst v8  }
0x9b: {  	s2 =	sor.u32 s11, s7  }
0x9c: {  	s9 =	sshll.u32 s2, $0x4  }
0x9d: {  	s12 =	simm.s32 $0x0;
	s15 =	simm.s32 $0x11200;
	s9 =	sadd.s32 s1, s9  }
0x9e: {  	[hbm4b:s9+s12] =	stream.linear.scatter [tilespmem:s15], [sflag:$0xA], $0x80, $0x38;
	[tilespmem:$0x11280] =	vst v63  }
0x9f: {  	_ =	swait.ge [sflag:s31], $0x80  }
0xa0: {  	[sflag:s31] =	ssyncset.done $0x0  }
0xa1: {  	[sflag:s31] =	ssyncadd.s32 $0xFFFFFF80  }
0xa2: {  	_ =	swait.ge [sflag:s17], $0x80  }
0xa3: {  	[sflag:s17] =	ssyncset.done $0x0  }
0xa4: {  	[sflag:s17] =	ssyncadd.s32 $0xFFFFFF80  }
0xa5: {  	_ =	swait.ge [sflag:s18], $0x80  }
0xa6: {  	[sflag:s18] =	ssyncset.done $0x0  }
0xa7: {  	[sflag:s18] =	ssyncadd.s32 $0xFFFFFF80  }
0xa8: {  	[tilespmem:s20], [sflag:$0x1] =	stream.indirect.gather [hbm4b:s4+s19], $0x81, s12, s19, $0xb8;
	[tilespmem:$0x11280] =	vst v63  }
0xa9: {  	_ = 	snop  }
0xaa: {  	[tilespmem:s21], [sflag:$0x3] =	stream.indirect.gather [hbm4b:s5+s19], $0x81, s16, s19, $0xb8;
	[tilespmem:$0x11280] =	vst v63  }
0xab: {  	_ =	swait.ge [sflag:s0], $0x4080  }
0xac: {  	[sflag:s0] =	ssyncset.done $0x0  }
0xad: {  	s15 =	sadd.s32 s14, s11;
	[sflag:s0] =	ssyncadd.s32 $0xFFFFBF80  }
0xae: {  	p0 =	slt.u32 s15, $0x4E2;
	s9 =	sshll.u32 s15, $0x4;
	_ =	swait.ge [sflag:s3], $0x4080  }
0xaf: {  	s9 =	simm.s32 @!p0 $0x0;
	[sflag:s3] =	ssyncset.done $0x0  }
0xb0: {  	s30 =	sadd.s32 s6, s9;
	[sflag:s3] =	ssyncadd.s32 $0xFFFFBF80  }
0xb1: {  	[tilespmem:s19], [sflag:$0x6] =	stream.linear.gather [hbm4b:s30+s12], $0x80, $0x38;
	[tilespmem:$0x11280] =	vst v63  }
0xb2: {  	s11 =	sor.u32 $0x20, s2;
	s15 =	simm.s32 $0x0;
	s9 =	sadd.s32 s8, s9  }
0xb3: {  	[tilespmem:s22], [sflag:$0x8] =	stream.linear.gather [hbm4b:s9+s12], $0x80, $0x38;
	[tilespmem:$0x11280] =	vst v63  }
.LBB2_7:
0xb4: {  	s2 =	sshll.u32 s15, $0x4  }
0xb5: {  	v9 =	vmov s12;
	v8 =	vmov s2  }
0xb6: {  	v9 =	vshrl.u32 v9, $0x3;
	v8 =	vmul.u32 $0x88, v8  }
0xb7: {  	v9 =	vshll.u32 v9, $0x3  }
0xb8: {  	v9 =	vadd.s32 v8, v9  }
0xb9: {  	v9 =	vbroadcast v9, $0x0;
	_ =	sdelay $0x1  }
0xba: {  	v10 =	vadd.s32 v0, v9  }
0xbb: {  	v11 =	vadd.s32 v7, v9  }
0xbc: {  	v12 =	vadd.s32 v1, v9;
	_ =	sdelay $0x1  }
0xbd: {  	v13 =	vadd.s32 v6, v9  }
0xbe: {  	v14 =	vld.idx.msk [tilespmem:v10+s25+$0x0], $0xffff  }
0xbf: {  	v15 =	vadd.s32 v2, v9;
	v16 =	vld.idx.msk [tilespmem:v11+s26+$0x0], $0xffff  }
0xc0: {  	v17 =	vadd.s32 v3, v9;
	v18 =	vld.idx.msk [tilespmem:v12+s26+$0x0], $0xffff  }
0xc1: {  	v10 =	vld.idx.msk [tilespmem:v10+s26+$0x0], $0xffff  }
0xc2: {  	v19 =	vadd.s32 v4, v9;
	v20 =	vld.idx.msk [tilespmem:v13+s26+$0x0], $0xffff  }
0xc3: {  	v13 =	vld.idx.msk [tilespmem:v13+s25+$0x0], $0xffff  }
0xc4: {  	v22 =	vld.idx.msk [tilespmem:v15+s26+$0x0], $0xffff  }
0xc5: {  	s9 =	simm.s32 $0x8;
	v23 =	vld.idx.msk [tilespmem:v17+s25+$0x0], $0xffff  }
0xc6: {  	v21 =	vmov s9;
	v11 =	vld.idx.msk [tilespmem:v11+s25+$0x0], $0xffff  }
0xc7: {  	v21 =	vshrl.u32 v21, $0x3;
	v9 =	vadd.s32 v5, v9;
	v24 =	vld.idx.msk [tilespmem:v19+s25+$0x0], $0xffff  }
0xc8: {  	v21 =	vshll.u32 v21, $0x3;
	v19 =	vld.idx.msk [tilespmem:v19+s26+$0x0], $0xffff  }
0xc9: {  	v21 =	vadd.s32 v8, v21;
	v15 =	vld.idx.msk [tilespmem:v15+s25+$0x0], $0xffff  }
0xca: {  	v21 =	vbroadcast v21, $0x0;
	v27 =	vld.idx.msk [tilespmem:v12+s25+$0x0], $0xffff  }
0xcb: {  	v17 =	vld.idx.msk [tilespmem:v17+s26+$0x0], $0xffff  }
0xcc: {  	v25 =	vadd.s32 v0, v21;
	v31 =	vld.idx.msk [tilespmem:v9+s26+$0x0], $0xffff  }
0xcd: {  	v26 =	vimm.f32 $0.0e+00;
	v28 =	vadd.s32 v7, v21;
	v32 =	vld.idx.msk [tilespmem:v9+s25+$0x0], $0xffff  }
0xce: {  	v29 =	vadd.s32 v1, v21;
	v30 =	vadd.s32 v2, v21;
	v34 =	vadd.s32 v3, v21  }
0xcf: {  	v35 =	vadd.s32 v4, v21;
	v13 =	vmul.bf16 v20, v13;
	v33 =	vmul.bf16 v16, v11  }
0xd0: {  	v12 =	vadd.s32 v5, v21;
	v24 =	vmul.bf16 v19, v24;
	v14 =	vmul.bf16 v10, v14  }
0xd1: {  	v20 =	vadd.s32 v6, v21;
	v11 =	vld.idx.msk [tilespmem:v25+s25+$0x0], $0xffff;
	v19 =	vmul.bf16 v22, v15;
	v18 =	vmul.bf16 v18, v27  }
0xd2: {  	v17 =	vmul.bf16 v17, v23;
	v16 =	vld.idx.msk [tilespmem:v25+s26+$0x0], $0xffff;
	v25 =	vmul.bf16 v31, v32;
	v9 =	vunpack.i.l.bf16.f32 v33  }
0xd3: {  	v15 =	vld.idx.msk [tilespmem:v28+s26+$0x0], $0xffff;
	v21 =	vunpack.i.u.bf16.f32 v24;
	v22 =	vunpack.i.u.bf16.f32 v14;
	v27 =	vunpack.i.l.bf16.f32 v13  }
0xd4: {  	v10 =	vld.idx.msk [tilespmem:v29+s26+$0x0], $0xffff;
	v14 =	vunpack.i.l.bf16.f32 v14;
	v36 =	vunpack.i.l.bf16.f32 v19;
	v23 =	vunpack.i.u.bf16.f32 v18  }
0xd5: {  	v28 =	vld.idx.msk [tilespmem:v28+s25+$0x0], $0xffff;
	v31 =	vunpack.i.u.bf16.f32 v19;
	v38 =	vunpack.i.u.bf16.f32 v17;
	v14 =	vadd.f32 v14, v26  }
0xd6: {  	v17 =	vunpack.i.l.bf16.f32 v17;
	v19 =	vld.idx.msk [tilespmem:v30+s26+$0x0], $0xffff;
	v24 =	vunpack.i.l.bf16.f32 v24;
	v22 =	vadd.f32 v22, v26  }
0xd7: {  	s30 =	simm.s32 $0x10;
	v40 =	vunpack.i.l.bf16.f32 v25;
	v13 =	vunpack.i.u.bf16.f32 v13;
	v37 =	vld.idx.msk [tilespmem:v20+s26+$0x0], $0xffff;
	v14 =	vadd.f32 v36, v14  }
0xd8: {  	v39 =	vld.idx.msk [tilespmem:v20+s25+$0x0], $0xffff;
	v20 =	vunpack.i.l.bf16.f32 v18;
	v22 =	vadd.f32 v31, v22;
	v31 =	vmov s30  }
0xd9: {  	v30 =	vld.idx.msk [tilespmem:v30+s25+$0x0], $0xffff;
	v63 =	vadd.f32 v20, v26;
	v20 =	vshrl.u32 v31, $0x3;
	v14 =	vadd.f32 v24, v14  }
0xda: {  	v33 =	vunpack.i.u.bf16.f32 v33;
	v23 =	vadd.f32 v23, v26;
	v18 =	vld.idx.msk [tilespmem:v34+s25+$0x0], $0xffff;
	v24 =	vshll.u32 v20, $0x3  }
0xdb: {  	v26 =	vld.idx.msk [tilespmem:v35+s25+$0x0], $0xffff;
	v21 =	vadd.f32 v21, v22;
	v20 =	vadd.f32 v27, v14;
	v14 =	vadd.s32 v8, v24  }
0xdc: {  	v36 =	vadd.f32 v38, v23;
	v31 =	vld.idx.msk [tilespmem:v35+s26+$0x0], $0xffff;
	v17 =	vadd.f32 v17, v63;
	v32 =	vbroadcast v14, $0x0  }
0xdd: {  	v35 =	vunpack.i.u.bf16.f32 v25;
	v25 =	vld.idx.msk [tilespmem:v34+s26+$0x0], $0xffff;
	v22 =	vadd.f32 v13, v21;
	v14 =	vmul.bf16 v37, v39  }
0xde: {  	v24 =	vld.idx.msk [tilespmem:v29+s25+$0x0], $0xffff;
	v34 =	vadd.f32 v40, v17;
	v27 =	vadd.s32 v0, v32;
	v13 =	vadd.s32 v1, v32  }
0xdf: {  	s9 =	simm.s32 $0x18;
	v29 =	vld.idx.msk [tilespmem:v12+s26+$0x0], $0xffff;
	v17 =	vadd.s32 v2, v32;
	v23 =	vadd.s32 v6, v32;
	v21 =	vadd.s32 v7, v32  }
.LBB2_8:
0xe0: {  	p0 =	sne.s32 s9, $0x78;
	v37 =	vadd.s32 v3, v32;
	v38 =	vld.idx.msk [tilespmem:v12+s25+$0x0], $0xffff;
	v39 =	vmul.bf16 v15, v28;
	v15 =	vadd.f32 v35, v36;
	s30 =	smov.u32 s9;
	s9 =	sadd.s32 $0x8, s9  }
0xe1: {  	v35 =	vadd.s32 v4, v32;
	v12 =	vadd.s32 v5, v32;
	v26 =	vmul.bf16 v31, v26  }
0xe2: {  	v16 =	vmul.bf16 v16, v11;
	v28 =	vunpack.i.l.bf16.f32 v39;
	v31 =	vadd.f32 v33, v15  }
0xe3: {  	v32 =	vadd.f32 v9, v34;
	v19 =	vmul.bf16 v19, v30;
	v30 =	vunpack.i.u.bf16.f32 v26;
	v11 =	vld.idx.msk [tilespmem:v27+s25+$0x0], $0xffff;
	v9 =	vmovc v28  }
0xe4: {  	v24 =	vmul.bf16 v10, v24;
	v33 =	vunpack.i.l.bf16.f32 v14;
	v28 =	vunpack.i.u.bf16.f32 v16;
	v15 =	vld.idx.msk [tilespmem:v21+s26+$0x0], $0xffff  }
0xe5: {  	v34 =	vunpack.i.l.bf16.f32 v16;
	v36 =	vunpack.i.l.bf16.f32 v19;
	v18 =	vmul.bf16 v25, v18;
	v10 =	vld.idx.msk [tilespmem:v13+s26+$0x0], $0xffff  }
0xe6: {  	v20 =	vadd.f32 v34, v20;
	v25 =	vunpack.i.u.bf16.f32 v24;
	v16 =	vld.idx.msk [tilespmem:v27+s26+$0x0], $0xffff;
	v27 =	vmul.bf16 v29, v38  }
0xe7: {  	v22 =	vadd.f32 v28, v22;
	v28 =	vunpack.i.u.bf16.f32 v19;
	v34 =	vunpack.i.u.bf16.f32 v18;
	v29 =	vld.idx.msk [tilespmem:v23+s26+$0x0], $0xffff  }
0xe8: {  	v24 =	vunpack.i.l.bf16.f32 v24;
	v20 =	vadd.f32 v36, v20;
	v36 =	vunpack.i.l.bf16.f32 v18;
	v23 =	vld.idx.msk [tilespmem:v23+s25+$0x0], $0xffff  }
0xe9: {  	v26 =	vunpack.i.l.bf16.f32 v26;
	v25 =	vadd.f32 v25, v31;
	v22 =	vadd.f32 v28, v22;
	v19 =	vld.idx.msk [tilespmem:v17+s26+$0x0], $0xffff  }
0xea: {  	v24 =	vadd.f32 v24, v32;
	v28 =	vmov s30;
	v20 =	vadd.f32 v26, v20;
	v18 =	vld.idx.msk [tilespmem:v37+s25+$0x0], $0xffff  }
0xeb: {  	v14 =	vunpack.i.u.bf16.f32 v14;
	v26 =	vshrl.u32 v28, $0x3;
	v28 =	vld.idx.msk [tilespmem:v21+s25+$0x0], $0xffff;
	v21 =	vunpack.i.l.bf16.f32 v27  }
0xec: {  	v31 =	vshll.u32 v26, $0x3;
	v22 =	vadd.f32 v30, v22;
	v20 =	vadd.f32 v33, v20;
	v26 =	vld.idx.msk [tilespmem:v35+s25+$0x0], $0xffff  }
.Ltmp2:
0xed: {  	v38 =	vadd.f32 v36, v24;
	v30 =	vadd.s32 v8, v31;
	v31 =	vld.idx.msk [tilespmem:v35+s26+$0x0], $0xffff;
	v35 =	vunpack.i.u.bf16.f32 v27;
	(pc) =	sbr.rel @p0 .LBB2_8-.Ltmp2, $4  }
0xee: {  	v36 =	vadd.f32 v34, v25;
	v32 =	vbroadcast v30, $0x0;
	v22 =	vadd.f32 v14, v22;
	v30 =	vld.idx.msk [tilespmem:v17+s25+$0x0], $0xffff  }
0xef: {  	v33 =	vunpack.i.u.bf16.f32 v39;
	v14 =	vmul.bf16 v29, v23;
	v24 =	vld.idx.msk [tilespmem:v13+s25+$0x0], $0xffff  }
0xf0: {  	v34 =	vadd.f32 v21, v38;
	v27 =	vadd.s32 v0, v32;
	v13 =	vadd.s32 v1, v32;
	v25 =	vld.idx.msk [tilespmem:v37+s26+$0x0], $0xffff  }
0xf1: {  	v21 =	vadd.s32 v7, v32;
	v23 =	vadd.s32 v6, v32;
	v17 =	vadd.s32 v2, v32;
	v29 =	vld.idx.msk [tilespmem:v12+s26+$0x0], $0xffff  }
0xf2: {  	_ =	sdelay $0x3  }
0xf3: {  	v8 =	vld.idx.msk [tilespmem:v12+s25+$0x0], $0xffff  }
0xf4: {  	v15 =	vmul.bf16 v15, v28;
	v28 =	vld.idx.msk [tilespmem:v27+s25+$0x0], $0xffff  }
0xf5: {  	v51 =	vld.idx.msk [tilespmem:v21+s26+$0x0], $0xffff  }
0xf6: {  	v37 =	vld.idx.msk [tilespmem:v13+s26+$0x0], $0xffff  }
0xf7: {  	v49 =	vadd.s32 v3, v32;
	v54 =	vld.idx.msk [tilespmem:v27+s26+$0x0], $0xffff  }
0xf8: {  	v35 =	vadd.f32 v35, v36;
	v50 =	vadd.s32 v4, v32;
	v26 =	vmul.bf16 v31, v26;
	v56 =	vld.idx.msk [tilespmem:v23+s26+$0x0], $0xffff  }
0xf9: {  	v52 =	vadd.s32 v5, v32;
	v11 =	vmul.bf16 v16, v11;
	v9 =	vadd.f32 v9, v34;
	v58 =	vld.idx.msk [tilespmem:v23+s25+$0x0], $0xffff  }
0xfa: {  	v57 =	vunpack.i.l.bf16.f32 v14;
	v60 =	vld.idx.msk [tilespmem:v17+s26+$0x0], $0xffff;
	v44 =	vunpack.i.u.bf16.f32 v14;
	v19 =	vmul.bf16 v19, v30  }
0xfb: {  	v38 =	vld.idx.msk [tilespmem:v21+s25+$0x0], $0xffff;
	v16 =	vunpack.i.l.bf16.f32 v15;
	v33 =	vadd.f32 v33, v35;
	v53 =	vunpack.i.u.bf16.f32 v26  }
0xfc: {  	v43 =	vld.idx.msk [tilespmem:v17+s25+$0x0], $0xffff;
	v55 =	vunpack.i.u.bf16.f32 v11;
	v11 =	vunpack.i.l.bf16.f32 v11;
	v10 =	vmul.bf16 v10, v24  }
0xfd: {  	v46 =	vld.idx.msk [tilespmem:v13+s25+$0x0], $0xffff;
	v26 =	vunpack.i.l.bf16.f32 v26;
	v15 =	vunpack.i.u.bf16.f32 v15;
	v11 =	vadd.f32 v11, v20  }
0xfe: {  	v59 =	vunpack.i.l.bf16.f32 v19;
	v18 =	vmul.bf16 v25, v18;
	v22 =	vadd.f32 v55, v22;
	v62 =	vld.idx.msk [tilespmem:v49+s25+$0x0], $0xffff  }
0xff: {  	v19 =	vunpack.i.u.bf16.f32 v19;
	v61 =	vunpack.i.u.bf16.f32 v10;
	v10 =	vunpack.i.l.bf16.f32 v10;
	v39 =	vld.idx.msk [tilespmem:v50+s25+$0x0], $0xffff  }
0x100: {  	v8 =	vmul.bf16 v29, v8;
	v11 =	vadd.f32 v59, v11;
	v63 =	vunpack.i.u.bf16.f32 v18;
	v41 =	vld.idx.msk [tilespmem:v50+s26+$0x0], $0xffff  }
0x101: {  	v19 =	vadd.f32 v19, v22;
	v18 =	vunpack.i.l.bf16.f32 v18;
	v47 =	vmul.bf16 v56, v58;
	v12 =	vld.idx.msk [tilespmem:v49+s26+$0x0], $0xffff  }
0x102: {  	v40 =	vadd.f32 v61, v33;
	v48 =	vld.idx.msk [tilespmem:v52+s26+$0x0], $0xffff;
	v21 =	vmul.bf16 v51, v38;
	v50 =	vmul.bf16 v54, v28  }
0x103: {  	v9 =	vadd.f32 v10, v9;
	v49 =	vld.idx.msk [tilespmem:v52+s25+$0x0], $0xffff;
	v52 =	vmul.bf16 v60, v43;
	v13 =	vmul.bf16 v37, v46  }
0x104: {  	v11 =	vadd.f32 v26, v11;
	v42 =	vunpack.i.l.bf16.f32 v8;
	v19 =	vadd.f32 v53, v19  }
0x105: {  	v9 =	vadd.f32 v18, v9;
	v45 =	vadd.f32 v63, v40;
	v8 =	vunpack.i.u.bf16.f32 v8  }
0x106: {  	v51 =	vunpack.i.l.bf16.f32 v21;
	v54 =	vunpack.i.u.bf16.f32 v50;
	v22 =	vunpack.i.l.bf16.f32 v50  }
0x107: {  	v25 =	vunpack.i.l.bf16.f32 v52;
	v55 =	vunpack.i.u.bf16.f32 v13;
	v13 =	vunpack.i.l.bf16.f32 v13  }
0x108: {  	v58 =	vunpack.i.l.bf16.f32 v47;
	v8 =	vadd.f32 v8, v45;
	v9 =	vadd.f32 v42, v9  }
0x109: {  	v11 =	vadd.f32 v57, v11;
	v14 =	vadd.f32 v44, v19;
	v10 =	vmul.bf16 v41, v39  }
0x10a: {  	v12 =	vmul.bf16 v12, v62;
	v8 =	vadd.f32 v15, v8;
	v9 =	vadd.f32 v16, v9  }
0x10b: {  	v18 =	vmul.bf16 v48, v49;
	v11 =	vadd.f32 v22, v11;
	v14 =	vadd.f32 v54, v14  }
0x10c: {  	v15 =	vunpack.i.u.bf16.f32 v52;
	v53 =	vunpack.i.u.bf16.f32 v10;
	v56 =	vunpack.i.u.bf16.f32 v12  }
0x10d: {  	v10 =	vunpack.i.l.bf16.f32 v10;
	v8 =	vadd.f32 v55, v8;
	v9 =	vadd.f32 v13, v9  }
0x10e: {  	v12 =	vunpack.i.l.bf16.f32 v12;
	v11 =	vadd.f32 v25, v11;
	v57 =	vadd.f32 v15, v14  }
0x10f: {  	v59 =	vunpack.i.l.bf16.f32 v18;
	v9 =	vadd.f32 v12, v9;
	v8 =	vadd.f32 v56, v8  }
0x110: {  	v60 =	vunpack.i.u.bf16.f32 v18;
	v10 =	vadd.f32 v10, v11;
	v13 =	vadd.f32 v53, v57  }
0x111: {  	v61 =	vunpack.i.u.bf16.f32 v47;
	v9 =	vadd.f32 v59, v9;
	v8 =	vadd.f32 v60, v8  }
0x112: {  	v63 =	vunpack.i.u.bf16.f32 v21;
	v10 =	vadd.f32 v58, v10;
	v62 =	vadd.f32 v61, v13  }
0x113: {  	s15 =	sadd.s32 $0x1, s15;
	v8 =	vadd.f32 v63, v8;
	v9 =	vadd.f32 v51, v9  }
0x114: {  	p0 =	sne.s32 s15, $0x8  }
.Ltmp3:
0x115: {  	v10 =	vadd.f32 v62, v10;
	v8 =	vadd.f32 v8, v9;
	(pc) =	sbr.rel @p0 .LBB2_7-.Ltmp3, $3  }
0x116: {  	_ = 	snop  }
0x117: {  	v8 =	vadd.f32 v8, v10;
	_ =	sdelay $0x1  }
0x118: {  	[tilespmem:s2+$0x11200] =	vst v8  }
0x119: {  	p0 =	sgt.u32 s11, $0x4E1  }
0x11a: {  	s10 =	sadd.s32 $0x1, s10;
	s2 =	sshll.u32 @!p0 s11, $0x4;
	s9 =	simm.s32 @!p0 $0x0  }
0x11b: {  	s11 =	simm.s32 @!p0 $0x11200;
	p1 =	sne.s32 s10, $0x14;
	s2 =	sadd.s32 @!p0 s1, s2  }
0x11c: {  	[hbm4b:s2+s9] =	stream.linear.scatter @!p0 [tilespmem:s11], [sflag:$0x9], $0x80, $0x38;
	[tilespmem:$0x11280] =	vst v63  }
.Ltmp4:
0x11d: {  	_ = 	snop;
	(pc) =	sbr.rel @p1 .LBB2_2-.Ltmp4, $4  }
0x11e: {  	s2 =	simm.s32 @!p0 $0x9  }
0x11f: {  	_ =	swait.ge @!p0 [sflag:s2], $0x80  }
0x120: {  	[sflag:s2] =	ssyncset.done @!p0 $0x0  }
0x121: {  	[sflag:s2] =	ssyncadd.s32 @!p0 $0xFFFFFF80  }
0x122: {  	_ =	swait.ge [sflag:s28], $0x4080  }
0x123: {  	[sflag:s28] =	ssyncset.done $0x0  }
0x124: {  	[sflag:s28] =	ssyncadd.s32 $0xFFFFBF80  }
0x125: {  	_ =	swait.ge [sflag:s29], $0x4080  }
0x126: {  	[sflag:s29] =	ssyncset.done $0x0  }
0x127: {  	[sflag:s29] =	ssyncadd.s32 $0xFFFFBF80  }
0x128: {  	_ =	swait.ge [sflag:s23], $0x80  }
0x129: {  	[sflag:s23] =	ssyncset.done $0x0  }
0x12a: {  	[sflag:s23] =	ssyncadd.s32 $0xFFFFFF80  }
0x12b: {  	_ =	swait.ge [sflag:s24], $0x80  }
0x12c: {  	s9 =	rddreg [dreg:$0x8]  }
0x12d: {  	s2 =	rddreg [dreg:$0x7];
	s9 =	sadd.s32 $0x1, s9  }
0x12e: {  	p0 =	sne.s32 s9, s2  }
.Ltmp5:
0x12f: {  	_ = 	snop;
	(pc) =	sbr.rel @p0 .LBB2_1-.Ltmp5, $3  }
0x130: {  	_ =	sdelay $0x1  }
0x131: {  	[sflag:s24] =	ssyncset.done $0x0  }
0x132: {  	[sflag:s24] =	ssyncadd.s32 $0xFFFFFF80  }
0x133: {  	_ =	sfence.sel $0x180000  }
0x134: {  	[bflag:$0x0] =	sbarrier.arrive $0xFFFF  }
0x135: {  	_ =	strace $0x90000047  }
0x136: {  	s0 =	stileid.u32;
	[bflag:$0x2] =	sbarrier.arrive $0xFFFF  }
0x137: {  	p0 =	sne.s32 s0, $0x0;
	s0 =	rddreg [dreg:$0x2]  }
0x138: {  	s0 =	sadd.s32 @!p0 $0x100000, s0  }
0x139: {  	[sflag:s0] =	ssyncadd.tile.s32 @!p0 $0x1;
	_ =	shalt  }
.Lfunc_end2:
_tile_overlayer_lowered:
.L_overlay_start_2:
0x13a: {  	(tag) =	ssettag $0x2  }
0x13b: {  	s0 =	rddreg [dreg:$0x0];
	s2 =	stileid.u32  }
0x13c: {  	s1 =	rddreg [dreg:$0x1];
	p0 =	sne.s32 s2, $0x0  }
0x13d: {  	s3 =	rddreg [dreg:$0x2];
	[bflag:$0x3] =	sbarrier.arrive $0xFFFF;
	s2 =	simm.s32 @!p0 $0x1C09  }
0x13e: {  	[timem:s3], [sflag:s2] =	dma.local @!p0 [hbm:s0], s1  }
0x13f: {  	s0 =	simm.s32 @!p0 $0x9  }
0x140: {  	_ =	swait.ge @!p0 [sflag:s0], s1  }
0x141: {  	s1 =	ssub.s32 @!p0 $0x0, s1;
	[sflag:s0] =	ssyncset.done @!p0 $0x0  }
0x142: {  	[sflag:s0] =	ssyncadd.s32 @!p0 s1  }
0x143: {  	[bflag:$0x3] =	sbarrier.arrive $0xFFFF  }
0x144: {  	_ =	shalt  }

</sc_bundles>
